<compile_context>
chip_gen: v7x
topology: tpu7x:2x2x1
jax: 0.10.2.dev20260603
libtpu: 0.0.44.dev20260713+nightly
codegen_flags: <defaults>
</compile_context>

<pallas_src>
import functools

import jax
import jax.numpy as jnp
import numpy as np
from jax import lax
from jax.experimental import pallas as pl
from jax.experimental.pallas import tpu as pltpu
from jax.experimental.pallas import tpu_sc as plsc

N_NODES = 10000
N_EDGES = 160000
MUL_IN = 16
MUL_OUT = 16
DIM_EDGE_EMB = 64
HIDDEN = 16
WNUM = MUL_IN * MUL_OUT
NORM = 1.0 / np.sqrt(MUL_IN)

NC = 2
NS = 16
NW = NC * NS

CH = 40
NCHUNK = N_EDGES // CH
CPT = NCHUNK // NW
CPT_SC = (NCHUNK // NC) // NS
ACC_ROWS = 10240
ZROWS = ACC_ROWS // NS
NBUF_G = 8
NBUF_S = 4


@functools.cache
def _sc_kernels():
    mesh = plsc.VectorSubcoreMesh(core_axis_name="c", subcore_axis_name="s",
                                  num_cores=NC, num_subcores=NS)

    @functools.partial(
        pl.kernel,
        out_type=jax.ShapeDtypeStruct((N_EDGES, 128), jnp.float32),
        mesh=mesh,
        scratch_types=[
            pltpu.VMEM((CPT, CH), jnp.int32),
            pltpu.VMEM((NBUF_G, CH, 128), jnp.float32),
            pltpu.SemaphoreType.DMA,
            pltpu.SemaphoreType.DMA,
        ],
    )
    def gather_k(table_hbm, src_hbm, out_hbm, idx_v, rows_v, gsem, osem):
        wid = lax.axis_index("c") * NS + lax.axis_index("s")
        c0 = wid * CPT
        pltpu.sync_copy(src_hbm.at[wid], idx_v)

        for b in range(NBUF_G):
            pltpu.async_copy(table_hbm.at[idx_v.at[b]], rows_v.at[b], gsem)

        def body(j, _):
            buf = rows_v.at[lax.rem(j, NBUF_G)]
            pltpu.make_async_copy(table_hbm.at[idx_v.at[j]], buf, gsem).wait()
            ocp = pltpu.async_copy(buf, out_hbm.at[pl.ds((c0 + j) * CH, CH)], osem)

            @pl.when(j + NBUF_G < CPT)
            def _prefetch():
                ocp.wait()
                pltpu.async_copy(table_hbm.at[idx_v.at[j + NBUF_G]], buf, gsem)

            return _

        lax.fori_loop(0, CPT, body, None)
        for b in range(NBUF_G):
            pltpu.make_async_copy(rows_v.at[b],
                                  out_hbm.at[pl.ds(c0 * CH, CH)], osem).wait()

    @functools.partial(
        pl.kernel,
        out_type=jax.ShapeDtypeStruct((NC, ACC_ROWS, 128), jnp.float32),
        mesh=mesh,
        scratch_types=[
            pltpu.VMEM((CPT_SC, CH), jnp.int32),
            pltpu.VMEM((NBUF_S, CH, 128), jnp.float32),
            pltpu.VMEM_SHARED((ACC_ROWS, 128), jnp.float32),
            pltpu.SemaphoreType.DMA,
            pltpu.SemaphoreType.DMA,
        ],
    )
    def scatter_k(feat_hbm, dst_hbm, zeros_hbm, part_hbm, idx_v, feat_v, acc_sh,
                  lsem, ssem):
        cid = lax.axis_index("c")
        sid = lax.axis_index("s")
        r0 = sid * ZROWS
        pltpu.sync_copy(zeros_hbm, acc_sh.at[pl.ds(r0, ZROWS)])
        wid = cid * NS + sid
        c0 = wid * CPT_SC
        pltpu.sync_copy(dst_hbm.at[wid], idx_v)
        plsc.subcore_barrier()

        for b in range(NBUF_S):
            pltpu.async_copy(feat_hbm.at[pl.ds((c0 + b) * CH, CH)],
                             feat_v.at[b], lsem)

        def body(j, _):
            buf = feat_v.at[lax.rem(j, NBUF_S)]
            pltpu.make_async_copy(feat_hbm.at[pl.ds((c0 + j) * CH, CH)],
                                  buf, lsem).wait()
            scp = pltpu.async_copy(buf, acc_sh.at[idx_v.at[j]], ssem, add=True)

            @pl.when(j + NBUF_S < CPT_SC)
            def _prefetch():
                scp.wait()
                pltpu.async_copy(feat_hbm.at[pl.ds((c0 + j + NBUF_S) * CH, CH)],
                                 buf, lsem)

            return _

        lax.fori_loop(0, CPT_SC, body, None)
        for b in range(NBUF_S):
            pltpu.make_async_copy(feat_v.at[b], acc_sh.at[idx_v.at[b]], ssem).wait()
        plsc.subcore_barrier()
        pltpu.sync_copy(acc_sh.at[pl.ds(r0, ZROWS)],
                        part_hbm.at[cid, pl.ds(r0, ZROWS)])

    return gather_k, scatter_k


BLK_E = 3200
GRID_E = N_EDGES // BLK_E


def _compute_body(y_ref, embt_ref, attrt_ref, w1_ref, b1_ref, w2_ref, b2_ref,
                  r_ref, sp_ref, out_ref):
    x1 = y_ref[:, :MUL_IN]
    h = lax.dot_general(embt_ref[...], w1_ref[...], (((0,), (0,)), ((), ())),
                        preferred_element_type=jnp.float32)
    h = h + b1_ref[...]
    h = h * jax.nn.sigmoid(h)
    wt = jnp.dot(h, w2_ref[...], preferred_element_type=jnp.float32) + b2_ref[...]
    x1r = jnp.dot(x1, r_ref[...], preferred_element_type=jnp.float32)
    attr_col = lax.transpose(attrt_ref[...], (1, 0))
    prod = wt * x1r * (attr_col * NORM)
    out_ref[...] = jnp.dot(prod, sp_ref[...], preferred_element_type=jnp.float32)


_compute_k = pl.pallas_call(
    _compute_body,
    grid=(GRID_E,),
    in_specs=[
        pl.BlockSpec((BLK_E, 128), lambda i: (i, 0)),
        pl.BlockSpec((DIM_EDGE_EMB, BLK_E), lambda i: (0, i)),
        pl.BlockSpec((1, BLK_E), lambda i: (0, i)),
        pl.BlockSpec((DIM_EDGE_EMB, HIDDEN), lambda i: (0, 0)),
        pl.BlockSpec((1, HIDDEN), lambda i: (0, 0)),
        pl.BlockSpec((HIDDEN, WNUM), lambda i: (0, 0)),
        pl.BlockSpec((1, WNUM), lambda i: (0, 0)),
        pl.BlockSpec((MUL_IN, WNUM), lambda i: (0, 0)),
        pl.BlockSpec((WNUM, 128), lambda i: (0, 0)),
    ],
    out_specs=pl.BlockSpec((BLK_E, 128), lambda i: (i, 0)),
    out_shape=jax.ShapeDtypeStruct((N_EDGES, 128), jnp.float32),
)


BLK_N = 1000
GRID_N = N_NODES // BLK_N


def _combine_body(p_ref, out_ref):
    out_ref[...] = p_ref[0, :, :MUL_OUT] + p_ref[1, :, :MUL_OUT]


_combine_k = pl.pallas_call(
    _combine_body,
    grid=(GRID_N,),
    in_specs=[pl.BlockSpec((NC, BLK_N, 128), lambda i: (0, i, 0))],
    out_specs=pl.BlockSpec((BLK_N, MUL_OUT), lambda i: (i, 0)),
    out_shape=jax.ShapeDtypeStruct((N_NODES, MUL_OUT), jnp.float32),
)


def kernel(node_features, edge_src, edge_dst, edge_attr, edge_embedding,
           W1, b1, W2, b2):
    gather_k, scatter_k = _sc_kernels()
    src3 = edge_src.astype(jnp.int32).reshape(NW, CPT, CH)
    dst3 = edge_dst.astype(jnp.int32).reshape(NW, CPT_SC, CH)
    table = jnp.tile(node_features, (1, 128 // MUL_IN))

    y = gather_k(table, src3)

    k256 = jnp.arange(WNUM)
    l128 = jnp.arange(128)
    R = (k256[None, :] // MUL_OUT == jnp.arange(MUL_IN)[:, None]).astype(jnp.float32)
    SP = ((k256[:, None] % MUL_OUT == l128[None, :])
          & (l128[None, :] < MUL_OUT)).astype(jnp.float32)

    embt = jnp.swapaxes(edge_embedding, 0, 1)
    attrt = jnp.swapaxes(edge_attr, 0, 1)
    efw = _compute_k(y, embt, attrt, W1, b1.reshape(1, -1), W2, b2.reshape(1, -1),
                     R, SP)

    zeros = jnp.zeros((ZROWS, 128), jnp.float32)
    partials = scatter_k(efw, dst3, zeros)
    return _combine_k(partials)

# --- scband reference (transcript-rebuilt; emitter-appended) ---
"""Pipeline reference for scband-convolution-67001489817867 (READ-ONLY COPY).

The authoritative reference and input builder live on the scoring server;
editing this copy changes nothing except your own understanding.
"""

import jax, jax.numpy as jnp
import numpy as np

N_NODES = 10000
N_EDGES = 160000
MUL_IN = 16
MUL_OUT = 16
DIM_EDGE_EMB = 64
HIDDEN = 16
WEIGHT_NUMEL = MUL_IN * MUL_OUT  # 256, tp.weight_numel for 16x0e (x) 1x0e -> 16x0e (uvw mode)


def setup_inputs(seed: int = 0) -> dict:
    key = jax.random.key(seed)
    ks = jax.random.split(key, 9)
    node_features = jax.random.normal(ks[0], (N_NODES, MUL_IN), dtype=jnp.float32)
    edge_src = jax.random.randint(ks[1], (N_EDGES,), 0, N_NODES, dtype=jnp.int64 if jax.config.jax_enable_x64 else jnp.int32)
    edge_dst = jax.random.randint(ks[2], (N_EDGES,), 0, N_NODES, dtype=jnp.int64 if jax.config.jax_enable_x64 else jnp.int32)
    edge_attr = jax.random.normal(ks[3], (N_EDGES, 1), dtype=jnp.float32)
    edge_embedding = jax.random.normal(ks[4], (N_EDGES, DIM_EDGE_EMB), dtype=jnp.float32)
    # weight_mlp parameters: Linear(64->16), SiLU, Linear(16->weight_numel)
    W1 = jax.random.normal(ks[5], (DIM_EDGE_EMB, HIDDEN), dtype=jnp.float32) / np.sqrt(DIM_EDGE_EMB)
    b1 = jnp.zeros((HIDDEN,), dtype=jnp.float32)
    W2 = jax.random.normal(ks[6], (HIDDEN, WEIGHT_NUMEL), dtype=jnp.float32) / np.sqrt(HIDDEN)
    b2 = jnp.zeros((WEIGHT_NUMEL,), dtype=jnp.float32)
    return {"node_features": node_features, "edge_src": edge_src, "edge_dst": edge_dst,
            "edge_attr": edge_attr, "edge_embedding": edge_embedding,
            "W1": W1, "b1": b1, "W2": W2, "b2": b2}


def reference(node_features, edge_src, edge_dst, edge_attr, edge_embedding, W1, b1, W2, b2):
    # weight = self.weight_mlp(edge_embedding)
    h = edge_embedding @ W1 + b1
    h = h * jax.nn.sigmoid(h)  # SiLU
    weight = h @ W2 + b2  # [E, weight_numel]
    # edge_features = self.tp(node_features[edge_src], edge_attr, weight)
    # FullyConnectedTensorProduct 16x0e (x) 1x0e -> 16x0e, 'uvw' path, shared_weights=False:
    #   out[e, w] = (1/sqrt(mul_in1*mul_in2)) * sum_u weight[e, u, w] * x1[e, u] * x2[e, 0]
    w = weight.reshape(-1, MUL_IN, MUL_OUT)
    x1 = node_features[edge_src]        # gather [E, 16]
    x2 = edge_attr[:, 0]                # [E]
    norm = 1.0 / np.sqrt(MUL_IN * 1)
    edge_features = jnp.einsum('euw,eu,e->ew', w, x1, x2) * norm  # [E, 16]
    # node_features = scatter(edge_features, edge_dst, dim=0)  (sum reduce)
    out = jax.ops.segment_sum(edge_features, edge_dst, num_segments=N_NODES)
    return out

if __name__ == "__main__":
    import jax
    _d = setup_inputs()
    print(jax.jit(kernel)(*tuple(_d.values())))

</pallas_src>

<mosaic_0001>
#map = affine_map<(d0, d1) -> (0, 0)>
#map1 = affine_map<(d0, d1) -> (0, 0, 0)>
module attributes {stable_mosaic.version = 14 : i64} {
  func.func @gather_k(%arg0: i32, %arg1: i32, %arg2: memref<10000x128xf32, #tpu.memory_space<hbm>>, %arg3: memref<32x125x40xi32, #tpu.memory_space<hbm>>, %arg4: memref<160000x128xf32, #tpu.memory_space<hbm>>, %arg5: memref<125x40xi32, #tpu.memory_space<vmem>>, %arg6: memref<8x40x128xf32, #tpu.memory_space<vmem>>, %arg7: memref<!tpu.dma_semaphore, #tpu.memory_space<semaphore_mem>>, %arg8: memref<!tpu.dma_semaphore, #tpu.memory_space<semaphore_mem>>) attributes {dimension_semantics = [#tpu.dimension_semantics<core_parallel>, #tpu.dimension_semantics<subcore_parallel>], iteration_bounds = array<i64: 2, 16>, scalar_prefetch = 0 : i64, scratch_operands = 4 : i64, tpu.core_type = #tpu.core_type<sc_vector_subcore>, window_params = [{transform_indices = #map}, {transform_indices = #map1}, {transform_indices = #map}]} {
    %mul3A = arith.constant 16 : i32
    %mul3A_0 = arith.muli %arg0, %mul3A : i32
    %add3A = arith.addi %mul3A_0, %arg1 : i32
    %mul3A_1 = arith.constant 125 : i32
    %mul3A_2 = arith.muli %add3A, %mul3A_1 : i32
    "tpu.region"() ({
      %run_scoped3A = tpu.sem_alloc : memref<!tpu.dma_semaphore, #tpu.memory_space<semaphore_mem>>
      %dma_start3A_221 = arith.constant 0 : i32
      %dma_start3A_222 = arith.constant 0 : i32
      %dma_start3A_223 = tpu.memref_slice %arg3[%add3A, %dma_start3A_221, %dma_start3A_222] : memref<32x125x40xi32, #tpu.memory_space<hbm>> -> memref<1x125x40xi32, #tpu.memory_space<hbm>>
      %dma_start3A_224 = tpu.memref_squeeze %dma_start3A_223 : memref<1x125x40xi32, #tpu.memory_space<hbm>> -> memref<125x40xi32, #tpu.memory_space<hbm>>
      %dma_start3A_225 = arith.constant 0 : i32
      %dma_start3A_226 = arith.constant 0 : i32
      %dma_start3A_227 = tpu.memref_slice %arg3[%add3A, %dma_start3A_225, %dma_start3A_226] : memref<32x125x40xi32, #tpu.memory_space<hbm>> -> memref<1x125x40xi32, #tpu.memory_space<hbm>>
      %dma_start3A_228 = tpu.memref_squeeze %dma_start3A_227 : memref<1x125x40xi32, #tpu.memory_space<hbm>> -> memref<125x40xi32, #tpu.memory_space<hbm>>
      tpu.enqueue_dma source(%dma_start3A_228 : memref<125x40xi32, #tpu.memory_space<hbm>>) target(%arg5 : memref<125x40xi32, #tpu.memory_space<vmem>>) target_semaphore(%run_scoped3A : memref<!tpu.dma_semaphore, #tpu.memory_space<semaphore_mem>>)
      %dma_wait3A_229 = arith.constant 0 : i32
      %dma_wait3A_230 = arith.constant 0 : i32
      %dma_wait3A_231 = tpu.memref_slice %arg3[%add3A, %dma_wait3A_229, %dma_wait3A_230] : memref<32x125x40xi32, #tpu.memory_space<hbm>> -> memref<1x125x40xi32, #tpu.memory_space<hbm>>
      %dma_wait3A_232 = tpu.memref_squeeze %dma_wait3A_231 : memref<1x125x40xi32, #tpu.memory_space<hbm>> -> memref<125x40xi32, #tpu.memory_space<hbm>>
      %dma_wait3A_233 = arith.constant 0 : i32
      %dma_wait3A_234 = arith.constant 0 : i32
      %dma_wait3A_235 = tpu.memref_slice %arg3[%add3A, %dma_wait3A_233, %dma_wait3A_234] : memref<32x125x40xi32, #tpu.memory_space<hbm>> -> memref<1x125x40xi32, #tpu.memory_space<hbm>>
      %dma_wait3A_236 = tpu.memref_squeeze %dma_wait3A_235 : memref<1x125x40xi32, #tpu.memory_space<hbm>> -> memref<125x40xi32, #tpu.memory_space<hbm>>
      tpu.wait_dma2 semaphore(%run_scoped3A : memref<!tpu.dma_semaphore, #tpu.memory_space<semaphore_mem>>) src(%dma_wait3A_236 : memref<125x40xi32, #tpu.memory_space<hbm>>) dst(%arg5 : memref<125x40xi32, #tpu.memory_space<vmem>>)
      tpu.yield
    }) : () -> ()
    %dma_start3A = arith.constant 0 : i32
    %dma_start3A_3 = arith.constant 0 : i32
    %dma_start3A_4 = arith.constant 0 : i32
    %dma_start3A_5 = arith.constant 0 : i32
    %dma_start3A_6 = tpu.memref_slice %arg6[%dma_start3A_3, %dma_start3A_4, %dma_start3A_5] : memref<8x40x128xf32, #tpu.memory_space<vmem>> -> memref<1x40x128xf32, #tpu.memory_space<vmem>>
    %dma_start3A_7 = tpu.memref_squeeze %dma_start3A_6 : memref<1x40x128xf32, #tpu.memory_space<vmem>> -> memref<40x128xf32, #tpu.memory_space<vmem>>
    %dma_start3A_8 = arith.constant 0 : i32
    %dma_start3A_9 = tpu.memref_slice %arg5[%dma_start3A, %dma_start3A_8] : memref<125x40xi32, #tpu.memory_space<vmem>> -> memref<1x40xi32, #tpu.memory_space<vmem>>
    %dma_start3A_10 = tpu.memref_squeeze %dma_start3A_9 : memref<1x40xi32, #tpu.memory_space<vmem>> -> memref<40xi32, #tpu.memory_space<vmem>>
    %dma_start3A_11 = arith.constant 0 : i32
    %dma_start3A_12 = arith.constant 0 : i32
    %dma_start3A_13 = tpu.memref_slice %arg2[%dma_start3A_11, %dma_start3A_12] : memref<10000x128xf32, #tpu.memory_space<hbm>> -> memref<10000x128xf32, #tpu.memory_space<hbm>>
    tpu.enqueue_indirect_dma source(%dma_start3A_13 : memref<10000x128xf32, #tpu.memory_space<hbm>>) target(%dma_start3A_7 : memref<40x128xf32, #tpu.memory_space<vmem>>) offsets(%dma_start3A_10 : memref<40xi32, #tpu.memory_space<vmem>>) semaphore(%arg7 : memref<!tpu.dma_semaphore, #tpu.memory_space<semaphore_mem>>)
    %dma_start3A_14 = arith.constant 1 : i32
    %dma_start3A_15 = arith.constant 1 : i32
    %dma_start3A_16 = arith.constant 0 : i32
    %dma_start3A_17 = arith.constant 0 : i32
    %dma_start3A_18 = tpu.memref_slice %arg6[%dma_start3A_15, %dma_start3A_16, %dma_start3A_17] : memref<8x40x128xf32, #tpu.memory_space<vmem>> -> memref<1x40x128xf32, #tpu.memory_space<vmem>>
    %dma_start3A_19 = tpu.memref_squeeze %dma_start3A_18 : memref<1x40x128xf32, #tpu.memory_space<vmem>> -> memref<40x128xf32, #tpu.memory_space<vmem>>
    %dma_start3A_20 = arith.constant 0 : i32
    %dma_start3A_21 = tpu.memref_slice %arg5[%dma_start3A_14, %dma_start3A_20] : memref<125x40xi32, #tpu.memory_space<vmem>> -> memref<1x40xi32, #tpu.memory_space<vmem>>
    %dma_start3A_22 = tpu.memref_squeeze %dma_start3A_21 : memref<1x40xi32, #tpu.memory_space<vmem>> -> memref<40xi32, #tpu.memory_space<vmem>>
    %dma_start3A_23 = arith.constant 0 : i32
    %dma_start3A_24 = arith.constant 0 : i32
    %dma_start3A_25 = tpu.memref_slice %arg2[%dma_start3A_23, %dma_start3A_24] : memref<10000x128xf32, #tpu.memory_space<hbm>> -> memref<10000x128xf32, #tpu.memory_space<hbm>>
    tpu.enqueue_indirect_dma source(%dma_start3A_25 : memref<10000x128xf32, #tpu.memory_space<hbm>>) target(%dma_start3A_19 : memref<40x128xf32, #tpu.memory_space<vmem>>) offsets(%dma_start3A_22 : memref<40xi32, #tpu.memory_space<vmem>>) semaphore(%arg7 : memref<!tpu.dma_semaphore, #tpu.memory_space<semaphore_mem>>)
    %dma_start3A_26 = arith.constant 2 : i32
    %dma_start3A_27 = arith.constant 2 : i32
    %dma_start3A_28 = arith.constant 0 : i32
    %dma_start3A_29 = arith.constant 0 : i32
    %dma_start3A_30 = tpu.memref_slice %arg6[%dma_start3A_27, %dma_start3A_28, %dma_start3A_29] : memref<8x40x128xf32, #tpu.memory_space<vmem>> -> memref<1x40x128xf32, #tpu.memory_space<vmem>>
    %dma_start3A_31 = tpu.memref_squeeze %dma_start3A_30 : memref<1x40x128xf32, #tpu.memory_space<vmem>> -> memref<40x128xf32, #tpu.memory_space<vmem>>
    %dma_start3A_32 = arith.constant 0 : i32
    %dma_start3A_33 = tpu.memref_slice %arg5[%dma_start3A_26, %dma_start3A_32] : memref<125x40xi32, #tpu.memory_space<vmem>> -> memref<1x40xi32, #tpu.memory_space<vmem>>
    %dma_start3A_34 = tpu.memref_squeeze %dma_start3A_33 : memref<1x40xi32, #tpu.memory_space<vmem>> -> memref<40xi32, #tpu.memory_space<vmem>>
    %dma_start3A_35 = arith.constant 0 : i32
    %dma_start3A_36 = arith.constant 0 : i32
    %dma_start3A_37 = tpu.memref_slice %arg2[%dma_start3A_35, %dma_start3A_36] : memref<10000x128xf32, #tpu.memory_space<hbm>> -> memref<10000x128xf32, #tpu.memory_space<hbm>>
    tpu.enqueue_indirect_dma source(%dma_start3A_37 : memref<10000x128xf32, #tpu.memory_space<hbm>>) target(%dma_start3A_31 : memref<40x128xf32, #tpu.memory_space<vmem>>) offsets(%dma_start3A_34 : memref<40xi32, #tpu.memory_space<vmem>>) semaphore(%arg7 : memref<!tpu.dma_semaphore, #tpu.memory_space<semaphore_mem>>)
    %dma_start3A_38 = arith.constant 3 : i32
    %dma_start3A_39 = arith.constant 3 : i32
    %dma_start3A_40 = arith.constant 0 : i32
    %dma_start3A_41 = arith.constant 0 : i32
    %dma_start3A_42 = tpu.memref_slice %arg6[%dma_start3A_39, %dma_start3A_40, %dma_start3A_41] : memref<8x40x128xf32, #tpu.memory_space<vmem>> -> memref<1x40x128xf32, #tpu.memory_space<vmem>>
    %dma_start3A_43 = tpu.memref_squeeze %dma_start3A_42 : memref<1x40x128xf32, #tpu.memory_space<vmem>> -> memref<40x128xf32, #tpu.memory_space<vmem>>
    %dma_start3A_44 = arith.constant 0 : i32
    %dma_start3A_45 = tpu.memref_slice %arg5[%dma_start3A_38, %dma_start3A_44] : memref<125x40xi32, #tpu.memory_space<vmem>> -> memref<1x40xi32, #tpu.memory_space<vmem>>
    %dma_start3A_46 = tpu.memref_squeeze %dma_start3A_45 : memref<1x40xi32, #tpu.memory_space<vmem>> -> memref<40xi32, #tpu.memory_space<vmem>>
    %dma_start3A_47 = arith.constant 0 : i32
    %dma_start3A_48 = arith.constant 0 : i32
    %dma_start3A_49 = tpu.memref_slice %arg2[%dma_start3A_47, %dma_start3A_48] : memref<10000x128xf32, #tpu.memory_space<hbm>> -> memref<10000x128xf32, #tpu.memory_space<hbm>>
    tpu.enqueue_indirect_dma source(%dma_start3A_49 : memref<10000x128xf32, #tpu.memory_space<hbm>>) target(%dma_start3A_43 : memref<40x128xf32, #tpu.memory_space<vmem>>) offsets(%dma_start3A_46 : memref<40xi32, #tpu.memory_space<vmem>>) semaphore(%arg7 : memref<!tpu.dma_semaphore, #tpu.memory_space<semaphore_mem>>)
    %dma_start3A_50 = arith.constant 4 : i32
    %dma_start3A_51 = arith.constant 4 : i32
    %dma_start3A_52 = arith.constant 0 : i32
    %dma_start3A_53 = arith.constant 0 : i32
    %dma_start3A_54 = tpu.memref_slice %arg6[%dma_start3A_51, %dma_start3A_52, %dma_start3A_53] : memref<8x40x128xf32, #tpu.memory_space<vmem>> -> memref<1x40x128xf32, #tpu.memory_space<vmem>>
    %dma_start3A_55 = tpu.memref_squeeze %dma_start3A_54 : memref<1x40x128xf32, #tpu.memory_space<vmem>> -> memref<40x128xf32, #tpu.memory_space<vmem>>
    %dma_start3A_56 = arith.constant 0 : i32
    %dma_start3A_57 = tpu.memref_slice %arg5[%dma_start3A_50, %dma_start3A_56] : memref<125x40xi32, #tpu.memory_space<vmem>> -> memref<1x40xi32, #tpu.memory_space<vmem>>
    %dma_start3A_58 = tpu.memref_squeeze %dma_start3A_57 : memref<1x40xi32, #tpu.memory_space<vmem>> -> memref<40xi32, #tpu.memory_space<vmem>>
    %dma_start3A_59 = arith.constant 0 : i32
    %dma_start3A_60 = arith.constant 0 : i32
    %dma_start3A_61 = tpu.memref_slice %arg2[%dma_start3A_59, %dma_start3A_60] : memref<10000x128xf32, #tpu.memory_space<hbm>> -> memref<10000x128xf32, #tpu.memory_space<hbm>>
    tpu.enqueue_indirect_dma source(%dma_start3A_61 : memref<10000x128xf32, #tpu.memory_space<hbm>>) target(%dma_start3A_55 : memref<40x128xf32, #tpu.memory_space<vmem>>) offsets(%dma_start3A_58 : memref<40xi32, #tpu.memory_space<vmem>>) semaphore(%arg7 : memref<!tpu.dma_semaphore, #tpu.memory_space<semaphore_mem>>)
    %dma_start3A_62 = arith.constant 5 : i32
    %dma_start3A_63 = arith.constant 5 : i32
    %dma_start3A_64 = arith.constant 0 : i32
    %dma_start3A_65 = arith.constant 0 : i32
    %dma_start3A_66 = tpu.memref_slice %arg6[%dma_start3A_63, %dma_start3A_64, %dma_start3A_65] : memref<8x40x128xf32, #tpu.memory_space<vmem>> -> memref<1x40x128xf32, #tpu.memory_space<vmem>>
    %dma_start3A_67 = tpu.memref_squeeze %dma_start3A_66 : memref<1x40x128xf32, #tpu.memory_space<vmem>> -> memref<40x128xf32, #tpu.memory_space<vmem>>
    %dma_start3A_68 = arith.constant 0 : i32
    %dma_start3A_69 = tpu.memref_slice %arg5[%dma_start3A_62, %dma_start3A_68] : memref<125x40xi32, #tpu.memory_space<vmem>> -> memref<1x40xi32, #tpu.memory_space<vmem>>
    %dma_start3A_70 = tpu.memref_squeeze %dma_start3A_69 : memref<1x40xi32, #tpu.memory_space<vmem>> -> memref<40xi32, #tpu.memory_space<vmem>>
    %dma_start3A_71 = arith.constant 0 : i32
    %dma_start3A_72 = arith.constant 0 : i32
    %dma_start3A_73 = tpu.memref_slice %arg2[%dma_start3A_71, %dma_start3A_72] : memref<10000x128xf32, #tpu.memory_space<hbm>> -> memref<10000x128xf32, #tpu.memory_space<hbm>>
    tpu.enqueue_indirect_dma source(%dma_start3A_73 : memref<10000x128xf32, #tpu.memory_space<hbm>>) target(%dma_start3A_67 : memref<40x128xf32, #tpu.memory_space<vmem>>) offsets(%dma_start3A_70 : memref<40xi32, #tpu.memory_space<vmem>>) semaphore(%arg7 : memref<!tpu.dma_semaphore, #tpu.memory_space<semaphore_mem>>)
    %dma_start3A_74 = arith.constant 6 : i32
    %dma_start3A_75 = arith.constant 6 : i32
    %dma_start3A_76 = arith.constant 0 : i32
    %dma_start3A_77 = arith.constant 0 : i32
    %dma_start3A_78 = tpu.memref_slice %arg6[%dma_start3A_75, %dma_start3A_76, %dma_start3A_77] : memref<8x40x128xf32, #tpu.memory_space<vmem>> -> memref<1x40x128xf32, #tpu.memory_space<vmem>>
    %dma_start3A_79 = tpu.memref_squeeze %dma_start3A_78 : memref<1x40x128xf32, #tpu.memory_space<vmem>> -> memref<40x128xf32, #tpu.memory_space<vmem>>
    %dma_start3A_80 = arith.constant 0 : i32
    %dma_start3A_81 = tpu.memref_slice %arg5[%dma_start3A_74, %dma_start3A_80] : memref<125x40xi32, #tpu.memory_space<vmem>> -> memref<1x40xi32, #tpu.memory_space<vmem>>
    %dma_start3A_82 = tpu.memref_squeeze %dma_start3A_81 : memref<1x40xi32, #tpu.memory_space<vmem>> -> memref<40xi32, #tpu.memory_space<vmem>>
    %dma_start3A_83 = arith.constant 0 : i32
    %dma_start3A_84 = arith.constant 0 : i32
    %dma_start3A_85 = tpu.memref_slice %arg2[%dma_start3A_83, %dma_start3A_84] : memref<10000x128xf32, #tpu.memory_space<hbm>> -> memref<10000x128xf32, #tpu.memory_space<hbm>>
    tpu.enqueue_indirect_dma source(%dma_start3A_85 : memref<10000x128xf32, #tpu.memory_space<hbm>>) target(%dma_start3A_79 : memref<40x128xf32, #tpu.memory_space<vmem>>) offsets(%dma_start3A_82 : memref<40xi32, #tpu.memory_space<vmem>>) semaphore(%arg7 : memref<!tpu.dma_semaphore, #tpu.memory_space<semaphore_mem>>)
    %dma_start3A_86 = arith.constant 7 : i32
    %dma_start3A_87 = arith.constant 7 : i32
    %dma_start3A_88 = arith.constant 0 : i32
    %dma_start3A_89 = arith.constant 0 : i32
    %dma_start3A_90 = tpu.memref_slice %arg6[%dma_start3A_87, %dma_start3A_88, %dma_start3A_89] : memref<8x40x128xf32, #tpu.memory_space<vmem>> -> memref<1x40x128xf32, #tpu.memory_space<vmem>>
    %dma_start3A_91 = tpu.memref_squeeze %dma_start3A_90 : memref<1x40x128xf32, #tpu.memory_space<vmem>> -> memref<40x128xf32, #tpu.memory_space<vmem>>
    %dma_start3A_92 = arith.constant 0 : i32
    %dma_start3A_93 = tpu.memref_slice %arg5[%dma_start3A_86, %dma_start3A_92] : memref<125x40xi32, #tpu.memory_space<vmem>> -> memref<1x40xi32, #tpu.memory_space<vmem>>
    %dma_start3A_94 = tpu.memref_squeeze %dma_start3A_93 : memref<1x40xi32, #tpu.memory_space<vmem>> -> memref<40xi32, #tpu.memory_space<vmem>>
    %dma_start3A_95 = arith.constant 0 : i32
    %dma_start3A_96 = arith.constant 0 : i32
    %dma_start3A_97 = tpu.memref_slice %arg2[%dma_start3A_95, %dma_start3A_96] : memref<10000x128xf32, #tpu.memory_space<hbm>> -> memref<10000x128xf32, #tpu.memory_space<hbm>>
    tpu.enqueue_indirect_dma source(%dma_start3A_97 : memref<10000x128xf32, #tpu.memory_space<hbm>>) target(%dma_start3A_91 : memref<40x128xf32, #tpu.memory_space<vmem>>) offsets(%dma_start3A_94 : memref<40xi32, #tpu.memory_space<vmem>>) semaphore(%arg7 : memref<!tpu.dma_semaphore, #tpu.memory_space<semaphore_mem>>)
    %scan3A = arith.constant 0 : i32
    %scan3A_98 = arith.constant 125 : i32
    %scan3A_99 = arith.addi %scan3A, %scan3A_98 : i32
    %scan3A_100 = arith.constant 1 : i32
    scf.for %scan3A_221 = %scan3A to %scan3A_99 step %scan3A_100  : i32 {
      %rem3A = arith.constant 8 : i32
      %rem3A_222 = arith.remsi %scan3A_221, %rem3A : i32
      %dma_wait3A_223 = arith.constant 0 : i32
      %dma_wait3A_224 = arith.constant 0 : i32
      %dma_wait3A_225 = tpu.memref_slice %arg6[%rem3A_222, %dma_wait3A_223, %dma_wait3A_224] : memref<8x40x128xf32, #tpu.memory_space<vmem>> -> memref<1x40x128xf32, #tpu.memory_space<vmem>>
      %dma_wait3A_226 = tpu.memref_squeeze %dma_wait3A_225 : memref<1x40x128xf32, #tpu.memory_space<vmem>> -> memref<40x128xf32, #tpu.memory_space<vmem>>
      %dma_wait3A_227 = arith.constant 0 : i32
      %dma_wait3A_228 = tpu.memref_slice %arg5[%scan3A_221, %dma_wait3A_227] : memref<125x40xi32, #tpu.memory_space<vmem>> -> memref<1x40xi32, #tpu.memory_space<vmem>>
      %dma_wait3A_229 = tpu.memref_squeeze %dma_wait3A_228 : memref<1x40xi32, #tpu.memory_space<vmem>> -> memref<40xi32, #tpu.memory_space<vmem>>
      %dma_wait3A_230 = arith.constant 0 : i32
      %dma_wait3A_231 = arith.constant 0 : i32
      %dma_wait3A_232 = tpu.memref_slice %arg2[%dma_wait3A_230, %dma_wait3A_231] : memref<10000x128xf32, #tpu.memory_space<hbm>> -> memref<10000x128xf32, #tpu.memory_space<hbm>>
      tpu.wait_indirect_dma semaphore(%arg7 : memref<!tpu.dma_semaphore, #tpu.memory_space<semaphore_mem>>) src(%dma_wait3A_232 : memref<10000x128xf32, #tpu.memory_space<hbm>>) dst(%dma_wait3A_226 : memref<40x128xf32, #tpu.memory_space<vmem>>)
      %add3A_233 = arith.addi %mul3A_2, %scan3A_221 : i32
      %mul3A_234 = arith.constant 40 : i32
      %mul3A_235 = arith.muli %add3A_233, %mul3A_234 : i32
      %dma_start3A_236 = arith.constant 0 : i32
      %dma_start3A_237 = arith.constant 0 : i32
      %dma_start3A_238 = tpu.memref_slice %arg6[%rem3A_222, %dma_start3A_236, %dma_start3A_237] : memref<8x40x128xf32, #tpu.memory_space<vmem>> -> memref<1x40x128xf32, #tpu.memory_space<vmem>>
      %dma_start3A_239 = tpu.memref_squeeze %dma_start3A_238 : memref<1x40x128xf32, #tpu.memory_space<vmem>> -> memref<40x128xf32, #tpu.memory_space<vmem>>
      %dma_start3A_240 = arith.constant 0 : i32
      %dma_start3A_241 = tpu.memref_slice %arg4[%mul3A_235, %dma_start3A_240] : memref<160000x128xf32, #tpu.memory_space<hbm>> -> memref<40x128xf32, #tpu.memory_space<hbm>>
      %dma_start3A_242 = arith.constant 0 : i32
      %dma_start3A_243 = tpu.memref_slice %arg4[%mul3A_235, %dma_start3A_242] : memref<160000x128xf32, #tpu.memory_space<hbm>> -> memref<40x128xf32, #tpu.memory_space<hbm>>
      %dma_start3A_244 = arith.constant 0 : i32
      %dma_start3A_245 = arith.constant 0 : i32
      %dma_start3A_246 = tpu.memref_slice %arg6[%rem3A_222, %dma_start3A_244, %dma_start3A_245] : memref<8x40x128xf32, #tpu.memory_space<vmem>> -> memref<1x40x128xf32, #tpu.memory_space<vmem>>
      %dma_start3A_247 = tpu.memref_squeeze %dma_start3A_246 : memref<1x40x128xf32, #tpu.memory_space<vmem>> -> memref<40x128xf32, #tpu.memory_space<vmem>>
      tpu.enqueue_dma source(%dma_start3A_247 : memref<40x128xf32, #tpu.memory_space<vmem>>) target(%dma_start3A_243 : memref<40x128xf32, #tpu.memory_space<hbm>>) target_semaphore(%arg8 : memref<!tpu.dma_semaphore, #tpu.memory_space<semaphore_mem>>)
      %add3A_248 = arith.constant 8 : i32
      %add3A_249 = arith.addi %scan3A_221, %add3A_248 : i32
      %lt3A = arith.constant 125 : i32
      %lt3A_250 = arith.cmpi slt, %add3A_249, %lt3A : i32
      %convert_element_type3A = arith.extui %lt3A_250 : i1 to i32
      %cond3A = arith.constant 0 : i32
      %cond3A_251 = arith.cmpi ne, %convert_element_type3A, %cond3A : i32
      scf.if %cond3A_251 {
        %dma_wait3A_252 = arith.constant 0 : i32
        %dma_wait3A_253 = arith.constant 0 : i32
        %dma_wait3A_254 = tpu.memref_slice %arg6[%rem3A_222, %dma_wait3A_252, %dma_wait3A_253] : memref<8x40x128xf32, #tpu.memory_space<vmem>> -> memref<1x40x128xf32, #tpu.memory_space<vmem>>
        %dma_wait3A_255 = tpu.memref_squeeze %dma_wait3A_254 : memref<1x40x128xf32, #tpu.memory_space<vmem>> -> memref<40x128xf32, #tpu.memory_space<vmem>>
        %dma_wait3A_256 = arith.constant 0 : i32
        %dma_wait3A_257 = tpu.memref_slice %arg4[%mul3A_235, %dma_wait3A_256] : memref<160000x128xf32, #tpu.memory_space<hbm>> -> memref<40x128xf32, #tpu.memory_space<hbm>>
        %dma_wait3A_258 = arith.constant 0 : i32
        %dma_wait3A_259 = tpu.memref_slice %arg4[%mul3A_235, %dma_wait3A_258] : memref<160000x128xf32, #tpu.memory_space<hbm>> -> memref<40x128xf32, #tpu.memory_space<hbm>>
        %dma_wait3A_260 = arith.constant 0 : i32
        %dma_wait3A_261 = arith.constant 0 : i32
        %dma_wait3A_262 = tpu.memref_slice %arg6[%rem3A_222, %dma_wait3A_260, %dma_wait3A_261] : memref<8x40x128xf32, #tpu.memory_space<vmem>> -> memref<1x40x128xf32, #tpu.memory_space<vmem>>
        %dma_wait3A_263 = tpu.memref_squeeze %dma_wait3A_262 : memref<1x40x128xf32, #tpu.memory_space<vmem>> -> memref<40x128xf32, #tpu.memory_space<vmem>>
        tpu.wait_dma2 semaphore(%arg8 : memref<!tpu.dma_semaphore, #tpu.memory_space<semaphore_mem>>) src(%dma_wait3A_263 : memref<40x128xf32, #tpu.memory_space<vmem>>) dst(%dma_wait3A_259 : memref<40x128xf32, #tpu.memory_space<hbm>>)
        %add3A_264 = arith.constant 8 : i32
        %add3A_265 = arith.addi %scan3A_221, %add3A_264 : i32
        %dma_start3A_266 = arith.constant 0 : i32
        %dma_start3A_267 = arith.constant 0 : i32
        %dma_start3A_268 = tpu.memref_slice %arg6[%rem3A_222, %dma_start3A_266, %dma_start3A_267] : memref<8x40x128xf32, #tpu.memory_space<vmem>> -> memref<1x40x128xf32, #tpu.memory_space<vmem>>
        %dma_start3A_269 = tpu.memref_squeeze %dma_start3A_268 : memref<1x40x128xf32, #tpu.memory_space<vmem>> -> memref<40x128xf32, #tpu.memory_space<vmem>>
        %dma_start3A_270 = arith.constant 0 : i32
        %dma_start3A_271 = tpu.memref_slice %arg5[%add3A_265, %dma_start3A_270] : memref<125x40xi32, #tpu.memory_space<vmem>> -> memref<1x40xi32, #tpu.memory_space<vmem>>
        %dma_start3A_272 = tpu.memref_squeeze %dma_start3A_271 : memref<1x40xi32, #tpu.memory_space<vmem>> -> memref<40xi32, #tpu.memory_space<vmem>>
        %dma_start3A_273 = arith.constant 0 : i32
        %dma_start3A_274 = arith.constant 0 : i32
        %dma_start3A_275 = tpu.memref_slice %arg2[%dma_start3A_273, %dma_start3A_274] : memref<10000x128xf32, #tpu.memory_space<hbm>> -> memref<10000x128xf32, #tpu.memory_space<hbm>>
        tpu.enqueue_indirect_dma source(%dma_start3A_275 : memref<10000x128xf32, #tpu.memory_space<hbm>>) target(%dma_start3A_269 : memref<40x128xf32, #tpu.memory_space<vmem>>) offsets(%dma_start3A_272 : memref<40xi32, #tpu.memory_space<vmem>>) semaphore(%arg7 : memref<!tpu.dma_semaphore, #tpu.memory_space<semaphore_mem>>)
      } else {
      }
    }
    %scan3A_101 = arith.constant 125 : i32
    %mul3A_102 = arith.constant 40 : i32
    %mul3A_103 = arith.muli %mul3A_2, %mul3A_102 : i32
    %dma_wait3A = arith.constant 0 : i32
    %dma_wait3A_104 = arith.constant 0 : i32
    %dma_wait3A_105 = arith.constant 0 : i32
    %dma_wait3A_106 = tpu.memref_slice %arg6[%dma_wait3A, %dma_wait3A_104, %dma_wait3A_105] : memref<8x40x128xf32, #tpu.memory_space<vmem>> -> memref<1x40x128xf32, #tpu.memory_space<vmem>>
    %dma_wait3A_107 = tpu.memref_squeeze %dma_wait3A_106 : memref<1x40x128xf32, #tpu.memory_space<vmem>> -> memref<40x128xf32, #tpu.memory_space<vmem>>
    %dma_wait3A_108 = arith.constant 0 : i32
    %dma_wait3A_109 = tpu.memref_slice %arg4[%mul3A_103, %dma_wait3A_108] : memref<160000x128xf32, #tpu.memory_space<hbm>> -> memref<40x128xf32, #tpu.memory_space<hbm>>
    %dma_wait3A_110 = arith.constant 0 : i32
    %dma_wait3A_111 = tpu.memref_slice %arg4[%mul3A_103, %dma_wait3A_110] : memref<160000x128xf32, #tpu.memory_space<hbm>> -> memref<40x128xf32, #tpu.memory_space<hbm>>
    %dma_wait3A_112 = arith.constant 0 : i32
    %dma_wait3A_113 = arith.constant 0 : i32
    %dma_wait3A_114 = tpu.memref_slice %arg6[%dma_wait3A, %dma_wait3A_112, %dma_wait3A_113] : memref<8x40x128xf32, #tpu.memory_space<vmem>> -> memref<1x40x128xf32, #tpu.memory_space<vmem>>
    %dma_wait3A_115 = tpu.memref_squeeze %dma_wait3A_114 : memref<1x40x128xf32, #tpu.memory_space<vmem>> -> memref<40x128xf32, #tpu.memory_space<vmem>>
    tpu.wait_dma2 semaphore(%arg8 : memref<!tpu.dma_semaphore, #tpu.memory_space<semaphore_mem>>) src(%dma_wait3A_115 : memref<40x128xf32, #tpu.memory_space<vmem>>) dst(%dma_wait3A_111 : memref<40x128xf32, #tpu.memory_space<hbm>>)
    %mul3A_116 = arith.constant 40 : i32
    %mul3A_117 = arith.muli %mul3A_2, %mul3A_116 : i32
    %dma_wait3A_118 = arith.constant 1 : i32
    %dma_wait3A_119 = arith.constant 0 : i32
    %dma_wait3A_120 = arith.constant 0 : i32
    %dma_wait3A_121 = tpu.memref_slice %arg6[%dma_wait3A_118, %dma_wait3A_119, %dma_wait3A_120] : memref<8x40x128xf32, #tpu.memory_space<vmem>> -> memref<1x40x128xf32, #tpu.memory_space<vmem>>
    %dma_wait3A_122 = tpu.memref_squeeze %dma_wait3A_121 : memref<1x40x128xf32, #tpu.memory_space<vmem>> -> memref<40x128xf32, #tpu.memory_space<vmem>>
    %dma_wait3A_123 = arith.constant 0 : i32
    %dma_wait3A_124 = tpu.memref_slice %arg4[%mul3A_117, %dma_wait3A_123] : memref<160000x128xf32, #tpu.memory_space<hbm>> -> memref<40x128xf32, #tpu.memory_space<hbm>>
    %dma_wait3A_125 = arith.constant 0 : i32
    %dma_wait3A_126 = tpu.memref_slice %arg4[%mul3A_117, %dma_wait3A_125] : memref<160000x128xf32, #tpu.memory_space<hbm>> -> memref<40x128xf32, #tpu.memory_space<hbm>>
    %dma_wait3A_127 = arith.constant 0 : i32
    %dma_wait3A_128 = arith.constant 0 : i32
    %dma_wait3A_129 = tpu.memref_slice %arg6[%dma_wait3A_118, %dma_wait3A_127, %dma_wait3A_128] : memref<8x40x128xf32, #tpu.memory_space<vmem>> -> memref<1x40x128xf32, #tpu.memory_space<vmem>>
    %dma_wait3A_130 = tpu.memref_squeeze %dma_wait3A_129 : memref<1x40x128xf32, #tpu.memory_space<vmem>> -> memref<40x128xf32, #tpu.memory_space<vmem>>
    tpu.wait_dma2 semaphore(%arg8 : memref<!tpu.dma_semaphore, #tpu.memory_space<semaphore_mem>>) src(%dma_wait3A_130 : memref<40x128xf32, #tpu.memory_space<vmem>>) dst(%dma_wait3A_126 : memref<40x128xf32, #tpu.memory_space<hbm>>)
    %mul3A_131 = arith.constant 40 : i32
    %mul3A_132 = arith.muli %mul3A_2, %mul3A_131 : i32
    %dma_wait3A_133 = arith.constant 2 : i32
    %dma_wait3A_134 = arith.constant 0 : i32
    %dma_wait3A_135 = arith.constant 0 : i32
    %dma_wait3A_136 = tpu.memref_slice %arg6[%dma_wait3A_133, %dma_wait3A_134, %dma_wait3A_135] : memref<8x40x128xf32, #tpu.memory_space<vmem>> -> memref<1x40x128xf32, #tpu.memory_space<vmem>>
    %dma_wait3A_137 = tpu.memref_squeeze %dma_wait3A_136 : memref<1x40x128xf32, #tpu.memory_space<vmem>> -> memref<40x128xf32, #tpu.memory_space<vmem>>
    %dma_wait3A_138 = arith.constant 0 : i32
    %dma_wait3A_139 = tpu.memref_slice %arg4[%mul3A_132, %dma_wait3A_138] : memref<160000x128xf32, #tpu.memory_space<hbm>> -> memref<40x128xf32, #tpu.memory_space<hbm>>
    %dma_wait3A_140 = arith.constant 0 : i32
    %dma_wait3A_141 = tpu.memref_slice %arg4[%mul3A_132, %dma_wait3A_140] : memref<160000x128xf32, #tpu.memory_space<hbm>> -> memref<40x128xf32, #tpu.memory_space<hbm>>
    %dma_wait3A_142 = arith.constant 0 : i32
    %dma_wait3A_143 = arith.constant 0 : i32
    %dma_wait3A_144 = tpu.memref_slice %arg6[%dma_wait3A_133, %dma_wait3A_142, %dma_wait3A_143] : memref<8x40x128xf32, #tpu.memory_space<vmem>> -> memref<1x40x128xf32, #tpu.memory_space<vmem>>
    %dma_wait3A_145 = tpu.memref_squeeze %dma_wait3A_144 : memref<1x40x128xf32, #tpu.memory_space<vmem>> -> memref<40x128xf32, #tpu.memory_space<vmem>>
    tpu.wait_dma2 semaphore(%arg8 : memref<!tpu.dma_semaphore, #tpu.memory_space<semaphore_mem>>) src(%dma_wait3A_145 : memref<40x128xf32, #tpu.memory_space<vmem>>) dst(%dma_wait3A_141 : memref<40x128xf32, #tpu.memory_space<hbm>>)
    %mul3A_146 = arith.constant 40 : i32
    %mul3A_147 = arith.muli %mul3A_2, %mul3A_146 : i32
    %dma_wait3A_148 = arith.constant 3 : i32
    %dma_wait3A_149 = arith.constant 0 : i32
    %dma_wait3A_150 = arith.constant 0 : i32
    %dma_wait3A_151 = tpu.memref_slice %arg6[%dma_wait3A_148, %dma_wait3A_149, %dma_wait3A_150] : memref<8x40x128xf32, #tpu.memory_space<vmem>> -> memref<1x40x128xf32, #tpu.memory_space<vmem>>
    %dma_wait3A_152 = tpu.memref_squeeze %dma_wait3A_151 : memref<1x40x128xf32, #tpu.memory_space<vmem>> -> memref<40x128xf32, #tpu.memory_space<vmem>>
    %dma_wait3A_153 = arith.constant 0 : i32
    %dma_wait3A_154 = tpu.memref_slice %arg4[%mul3A_147, %dma_wait3A_153] : memref<160000x128xf32, #tpu.memory_space<hbm>> -> memref<40x128xf32, #tpu.memory_space<hbm>>
    %dma_wait3A_155 = arith.constant 0 : i32
    %dma_wait3A_156 = tpu.memref_slice %arg4[%mul3A_147, %dma_wait3A_155] : memref<160000x128xf32, #tpu.memory_space<hbm>> -> memref<40x128xf32, #tpu.memory_space<hbm>>
    %dma_wait3A_157 = arith.constant 0 : i32
    %dma_wait3A_158 = arith.constant 0 : i32
    %dma_wait3A_159 = tpu.memref_slice %arg6[%dma_wait3A_148, %dma_wait3A_157, %dma_wait3A_158] : memref<8x40x128xf32, #tpu.memory_space<vmem>> -> memref<1x40x128xf32, #tpu.memory_space<vmem>>
    %dma_wait3A_160 = tpu.memref_squeeze %dma_wait3A_159 : memref<1x40x128xf32, #tpu.memory_space<vmem>> -> memref<40x128xf32, #tpu.memory_space<vmem>>
    tpu.wait_dma2 semaphore(%arg8 : memref<!tpu.dma_semaphore, #tpu.memory_space<semaphore_mem>>) src(%dma_wait3A_160 : memref<40x128xf32, #tpu.memory_space<vmem>>) dst(%dma_wait3A_156 : memref<40x128xf32, #tpu.memory_space<hbm>>)
    %mul3A_161 = arith.constant 40 : i32
    %mul3A_162 = arith.muli %mul3A_2, %mul3A_161 : i32
    %dma_wait3A_163 = arith.constant 4 : i32
    %dma_wait3A_164 = arith.constant 0 : i32
    %dma_wait3A_165 = arith.constant 0 : i32
    %dma_wait3A_166 = tpu.memref_slice %arg6[%dma_wait3A_163, %dma_wait3A_164, %dma_wait3A_165] : memref<8x40x128xf32, #tpu.memory_space<vmem>> -> memref<1x40x128xf32, #tpu.memory_space<vmem>>
    %dma_wait3A_167 = tpu.memref_squeeze %dma_wait3A_166 : memref<1x40x128xf32, #tpu.memory_space<vmem>> -> memref<40x128xf32, #tpu.memory_space<vmem>>
    %dma_wait3A_168 = arith.constant 0 : i32
    %dma_wait3A_169 = tpu.memref_slice %arg4[%mul3A_162, %dma_wait3A_168] : memref<160000x128xf32, #tpu.memory_space<hbm>> -> memref<40x128xf32, #tpu.memory_space<hbm>>
    %dma_wait3A_170 = arith.constant 0 : i32
    %dma_wait3A_171 = tpu.memref_slice %arg4[%mul3A_162, %dma_wait3A_170] : memref<160000x128xf32, #tpu.memory_space<hbm>> -> memref<40x128xf32, #tpu.memory_space<hbm>>
    %dma_wait3A_172 = arith.constant 0 : i32
    %dma_wait3A_173 = arith.constant 0 : i32
    %dma_wait3A_174 = tpu.memref_slice %arg6[%dma_wait3A_163, %dma_wait3A_172, %dma_wait3A_173] : memref<8x40x128xf32, #tpu.memory_space<vmem>> -> memref<1x40x128xf32, #tpu.memory_space<vmem>>
    %dma_wait3A_175 = tpu.memref_squeeze %dma_wait3A_174 : memref<1x40x128xf32, #tpu.memory_space<vmem>> -> memref<40x128xf32, #tpu.memory_space<vmem>>
    tpu.wait_dma2 semaphore(%arg8 : memref<!tpu.dma_semaphore, #tpu.memory_space<semaphore_mem>>) src(%dma_wait3A_175 : memref<40x128xf32, #tpu.memory_space<vmem>>) dst(%dma_wait3A_171 : memref<40x128xf32, #tpu.memory_space<hbm>>)
    %mul3A_176 = arith.constant 40 : i32
    %mul3A_177 = arith.muli %mul3A_2, %mul3A_176 : i32
    %dma_wait3A_178 = arith.constant 5 : i32
    %dma_wait3A_179 = arith.constant 0 : i32
    %dma_wait3A_180 = arith.constant 0 : i32
    %dma_wait3A_181 = tpu.memref_slice %arg6[%dma_wait3A_178, %dma_wait3A_179, %dma_wait3A_180] : memref<8x40x128xf32, #tpu.memory_space<vmem>> -> memref<1x40x128xf32, #tpu.memory_space<vmem>>
    %dma_wait3A_182 = tpu.memref_squeeze %dma_wait3A_181 : memref<1x40x128xf32, #tpu.memory_space<vmem>> -> memref<40x128xf32, #tpu.memory_space<vmem>>
    %dma_wait3A_183 = arith.constant 0 : i32
    %dma_wait3A_184 = tpu.memref_slice %arg4[%mul3A_177, %dma_wait3A_183] : memref<160000x128xf32, #tpu.memory_space<hbm>> -> memref<40x128xf32, #tpu.memory_space<hbm>>
    %dma_wait3A_185 = arith.constant 0 : i32
    %dma_wait3A_186 = tpu.memref_slice %arg4[%mul3A_177, %dma_wait3A_185] : memref<160000x128xf32, #tpu.memory_space<hbm>> -> memref<40x128xf32, #tpu.memory_space<hbm>>
    %dma_wait3A_187 = arith.constant 0 : i32
    %dma_wait3A_188 = arith.constant 0 : i32
    %dma_wait3A_189 = tpu.memref_slice %arg6[%dma_wait3A_178, %dma_wait3A_187, %dma_wait3A_188] : memref<8x40x128xf32, #tpu.memory_space<vmem>> -> memref<1x40x128xf32, #tpu.memory_space<vmem>>
    %dma_wait3A_190 = tpu.memref_squeeze %dma_wait3A_189 : memref<1x40x128xf32, #tpu.memory_space<vmem>> -> memref<40x128xf32, #tpu.memory_space<vmem>>
    tpu.wait_dma2 semaphore(%arg8 : memref<!tpu.dma_semaphore, #tpu.memory_space<semaphore_mem>>) src(%dma_wait3A_190 : memref<40x128xf32, #tpu.memory_space<vmem>>) dst(%dma_wait3A_186 : memref<40x128xf32, #tpu.memory_space<hbm>>)
    %mul3A_191 = arith.constant 40 : i32
    %mul3A_192 = arith.muli %mul3A_2, %mul3A_191 : i32
    %dma_wait3A_193 = arith.constant 6 : i32
    %dma_wait3A_194 = arith.constant 0 : i32
    %dma_wait3A_195 = arith.constant 0 : i32
    %dma_wait3A_196 = tpu.memref_slice %arg6[%dma_wait3A_193, %dma_wait3A_194, %dma_wait3A_195] : memref<8x40x128xf32, #tpu.memory_space<vmem>> -> memref<1x40x128xf32, #tpu.memory_space<vmem>>
    %dma_wait3A_197 = tpu.memref_squeeze %dma_wait3A_196 : memref<1x40x128xf32, #tpu.memory_space<vmem>> -> memref<40x128xf32, #tpu.memory_space<vmem>>
    %dma_wait3A_198 = arith.constant 0 : i32
    %dma_wait3A_199 = tpu.memref_slice %arg4[%mul3A_192, %dma_wait3A_198] : memref<160000x128xf32, #tpu.memory_space<hbm>> -> memref<40x128xf32, #tpu.memory_space<hbm>>
    %dma_wait3A_200 = arith.constant 0 : i32
    %dma_wait3A_201 = tpu.memref_slice %arg4[%mul3A_192, %dma_wait3A_200] : memref<160000x128xf32, #tpu.memory_space<hbm>> -> memref<40x128xf32, #tpu.memory_space<hbm>>
    %dma_wait3A_202 = arith.constant 0 : i32
    %dma_wait3A_203 = arith.constant 0 : i32
    %dma_wait3A_204 = tpu.memref_slice %arg6[%dma_wait3A_193, %dma_wait3A_202, %dma_wait3A_203] : memref<8x40x128xf32, #tpu.memory_space<vmem>> -> memref<1x40x128xf32, #tpu.memory_space<vmem>>
    %dma_wait3A_205 = tpu.memref_squeeze %dma_wait3A_204 : memref<1x40x128xf32, #tpu.memory_space<vmem>> -> memref<40x128xf32, #tpu.memory_space<vmem>>
    tpu.wait_dma2 semaphore(%arg8 : memref<!tpu.dma_semaphore, #tpu.memory_space<semaphore_mem>>) src(%dma_wait3A_205 : memref<40x128xf32, #tpu.memory_space<vmem>>) dst(%dma_wait3A_201 : memref<40x128xf32, #tpu.memory_space<hbm>>)
    %mul3A_206 = arith.constant 40 : i32
    %mul3A_207 = arith.muli %mul3A_2, %mul3A_206 : i32
    %dma_wait3A_208 = arith.constant 7 : i32
    %dma_wait3A_209 = arith.constant 0 : i32
    %dma_wait3A_210 = arith.constant 0 : i32
    %dma_wait3A_211 = tpu.memref_slice %arg6[%dma_wait3A_208, %dma_wait3A_209, %dma_wait3A_210] : memref<8x40x128xf32, #tpu.memory_space<vmem>> -> memref<1x40x128xf32, #tpu.memory_space<vmem>>
    %dma_wait3A_212 = tpu.memref_squeeze %dma_wait3A_211 : memref<1x40x128xf32, #tpu.memory_space<vmem>> -> memref<40x128xf32, #tpu.memory_space<vmem>>
    %dma_wait3A_213 = arith.constant 0 : i32
    %dma_wait3A_214 = tpu.memref_slice %arg4[%mul3A_207, %dma_wait3A_213] : memref<160000x128xf32, #tpu.memory_space<hbm>> -> memref<40x128xf32, #tpu.memory_space<hbm>>
    %dma_wait3A_215 = arith.constant 0 : i32
    %dma_wait3A_216 = tpu.memref_slice %arg4[%mul3A_207, %dma_wait3A_215] : memref<160000x128xf32, #tpu.memory_space<hbm>> -> memref<40x128xf32, #tpu.memory_space<hbm>>
    %dma_wait3A_217 = arith.constant 0 : i32
    %dma_wait3A_218 = arith.constant 0 : i32
    %dma_wait3A_219 = tpu.memref_slice %arg6[%dma_wait3A_208, %dma_wait3A_217, %dma_wait3A_218] : memref<8x40x128xf32, #tpu.memory_space<vmem>> -> memref<1x40x128xf32, #tpu.memory_space<vmem>>
    %dma_wait3A_220 = tpu.memref_squeeze %dma_wait3A_219 : memref<1x40x128xf32, #tpu.memory_space<vmem>> -> memref<40x128xf32, #tpu.memory_space<vmem>>
    tpu.wait_dma2 semaphore(%arg8 : memref<!tpu.dma_semaphore, #tpu.memory_space<semaphore_mem>>) src(%dma_wait3A_220 : memref<40x128xf32, #tpu.memory_space<vmem>>) dst(%dma_wait3A_216 : memref<40x128xf32, #tpu.memory_space<hbm>>)
    return
  }
}

#map = affine_map<(d0, d1) -> (0, 0)>
#map1 = affine_map<(d0, d1) -> (0, 0, 0)>
module attributes {stable_mosaic.version = 14 : i64} {
  func.func @scatter_k(%arg0: i32, %arg1: i32, %arg2: memref<160000x128xf32, #tpu.memory_space<hbm>>, %arg3: memref<32x125x40xi32, #tpu.memory_space<hbm>>, %arg4: memref<640x128xf32, #tpu.memory_space<hbm>>, %arg5: memref<2x10240x128xf32, #tpu.memory_space<hbm>>, %arg6: memref<125x40xi32, #tpu.memory_space<vmem>>, %arg7: memref<4x40x128xf32, #tpu.memory_space<vmem>>, %arg8: memref<10240x128xf32, #tpu.memory_space<vmem_shared>>, %arg9: memref<!tpu.dma_semaphore, #tpu.memory_space<semaphore_mem>>, %arg10: memref<!tpu.dma_semaphore, #tpu.memory_space<semaphore_mem>>) attributes {dimension_semantics = [#tpu.dimension_semantics<core_parallel>, #tpu.dimension_semantics<subcore_parallel>], iteration_bounds = array<i64: 2, 16>, scalar_prefetch = 0 : i64, scratch_operands = 5 : i64, tpu.core_type = #tpu.core_type<sc_vector_subcore>, window_params = [{transform_indices = #map}, {transform_indices = #map1}, {transform_indices = #map}, {transform_indices = #map1}]} {
    %mul3A = arith.constant 640 : i32
    %mul3A_0 = arith.muli %arg1, %mul3A : i32
    "tpu.region"() ({
      %run_scoped3A = tpu.sem_alloc : memref<!tpu.dma_semaphore, #tpu.memory_space<semaphore_mem>>
      %dma_start3A_124 = arith.constant 0 : i32
      %dma_start3A_125 = tpu.memref_slice %arg8[%mul3A_0, %dma_start3A_124] : memref<10240x128xf32, #tpu.memory_space<vmem_shared>> -> memref<640x128xf32, #tpu.memory_space<vmem_shared>>
      tpu.enqueue_dma source(%arg4 : memref<640x128xf32, #tpu.memory_space<hbm>>) target(%dma_start3A_125 : memref<640x128xf32, #tpu.memory_space<vmem_shared>>) target_semaphore(%run_scoped3A : memref<!tpu.dma_semaphore, #tpu.memory_space<semaphore_mem>>)
      %dma_wait3A_126 = arith.constant 0 : i32
      %dma_wait3A_127 = tpu.memref_slice %arg8[%mul3A_0, %dma_wait3A_126] : memref<10240x128xf32, #tpu.memory_space<vmem_shared>> -> memref<640x128xf32, #tpu.memory_space<vmem_shared>>
      tpu.wait_dma2 semaphore(%run_scoped3A : memref<!tpu.dma_semaphore, #tpu.memory_space<semaphore_mem>>) src(%arg4 : memref<640x128xf32, #tpu.memory_space<hbm>>) dst(%dma_wait3A_127 : memref<640x128xf32, #tpu.memory_space<vmem_shared>>)
      tpu.yield
    }) : () -> ()
    %mul3A_1 = arith.constant 16 : i32
    %mul3A_2 = arith.muli %arg0, %mul3A_1 : i32
    %add3A = arith.addi %mul3A_2, %arg1 : i32
    %mul3A_3 = arith.constant 125 : i32
    %mul3A_4 = arith.muli %add3A, %mul3A_3 : i32
    "tpu.region"() ({
      %run_scoped3A = tpu.sem_alloc : memref<!tpu.dma_semaphore, #tpu.memory_space<semaphore_mem>>
      %dma_start3A_124 = arith.constant 0 : i32
      %dma_start3A_125 = arith.constant 0 : i32
      %dma_start3A_126 = tpu.memref_slice %arg3[%add3A, %dma_start3A_124, %dma_start3A_125] : memref<32x125x40xi32, #tpu.memory_space<hbm>> -> memref<1x125x40xi32, #tpu.memory_space<hbm>>
      %dma_start3A_127 = tpu.memref_squeeze %dma_start3A_126 : memref<1x125x40xi32, #tpu.memory_space<hbm>> -> memref<125x40xi32, #tpu.memory_space<hbm>>
      %dma_start3A_128 = arith.constant 0 : i32
      %dma_start3A_129 = arith.constant 0 : i32
      %dma_start3A_130 = tpu.memref_slice %arg3[%add3A, %dma_start3A_128, %dma_start3A_129] : memref<32x125x40xi32, #tpu.memory_space<hbm>> -> memref<1x125x40xi32, #tpu.memory_space<hbm>>
      %dma_start3A_131 = tpu.memref_squeeze %dma_start3A_130 : memref<1x125x40xi32, #tpu.memory_space<hbm>> -> memref<125x40xi32, #tpu.memory_space<hbm>>
      tpu.enqueue_dma source(%dma_start3A_131 : memref<125x40xi32, #tpu.memory_space<hbm>>) target(%arg6 : memref<125x40xi32, #tpu.memory_space<vmem>>) target_semaphore(%run_scoped3A : memref<!tpu.dma_semaphore, #tpu.memory_space<semaphore_mem>>)
      %dma_wait3A_132 = arith.constant 0 : i32
      %dma_wait3A_133 = arith.constant 0 : i32
      %dma_wait3A_134 = tpu.memref_slice %arg3[%add3A, %dma_wait3A_132, %dma_wait3A_133] : memref<32x125x40xi32, #tpu.memory_space<hbm>> -> memref<1x125x40xi32, #tpu.memory_space<hbm>>
      %dma_wait3A_135 = tpu.memref_squeeze %dma_wait3A_134 : memref<1x125x40xi32, #tpu.memory_space<hbm>> -> memref<125x40xi32, #tpu.memory_space<hbm>>
      %dma_wait3A_136 = arith.constant 0 : i32
      %dma_wait3A_137 = arith.constant 0 : i32
      %dma_wait3A_138 = tpu.memref_slice %arg3[%add3A, %dma_wait3A_136, %dma_wait3A_137] : memref<32x125x40xi32, #tpu.memory_space<hbm>> -> memref<1x125x40xi32, #tpu.memory_space<hbm>>
      %dma_wait3A_139 = tpu.memref_squeeze %dma_wait3A_138 : memref<1x125x40xi32, #tpu.memory_space<hbm>> -> memref<125x40xi32, #tpu.memory_space<hbm>>
      tpu.wait_dma2 semaphore(%run_scoped3A : memref<!tpu.dma_semaphore, #tpu.memory_space<semaphore_mem>>) src(%dma_wait3A_139 : memref<125x40xi32, #tpu.memory_space<hbm>>) dst(%arg6 : memref<125x40xi32, #tpu.memory_space<vmem>>)
      tpu.yield
    }) : () -> ()
    %barrier3A = arith.constant 0 : index
    tpu.barrier barrier_id(%barrier3A)
    %add3A_5 = arith.constant 0 : i32
    %add3A_6 = arith.addi %mul3A_4, %add3A_5 : i32
    %mul3A_7 = arith.constant 40 : i32
    %mul3A_8 = arith.muli %add3A_6, %mul3A_7 : i32
    %dma_start3A = arith.constant 0 : i32
    %dma_start3A_9 = arith.constant 0 : i32
    %dma_start3A_10 = arith.constant 0 : i32
    %dma_start3A_11 = tpu.memref_slice %arg7[%dma_start3A, %dma_start3A_9, %dma_start3A_10] : memref<4x40x128xf32, #tpu.memory_space<vmem>> -> memref<1x40x128xf32, #tpu.memory_space<vmem>>
    %dma_start3A_12 = tpu.memref_squeeze %dma_start3A_11 : memref<1x40x128xf32, #tpu.memory_space<vmem>> -> memref<40x128xf32, #tpu.memory_space<vmem>>
    %dma_start3A_13 = arith.constant 0 : i32
    %dma_start3A_14 = tpu.memref_slice %arg2[%mul3A_8, %dma_start3A_13] : memref<160000x128xf32, #tpu.memory_space<hbm>> -> memref<40x128xf32, #tpu.memory_space<hbm>>
    %dma_start3A_15 = arith.constant 0 : i32
    %dma_start3A_16 = arith.constant 0 : i32
    %dma_start3A_17 = tpu.memref_slice %arg7[%dma_start3A, %dma_start3A_15, %dma_start3A_16] : memref<4x40x128xf32, #tpu.memory_space<vmem>> -> memref<1x40x128xf32, #tpu.memory_space<vmem>>
    %dma_start3A_18 = tpu.memref_squeeze %dma_start3A_17 : memref<1x40x128xf32, #tpu.memory_space<vmem>> -> memref<40x128xf32, #tpu.memory_space<vmem>>
    %dma_start3A_19 = arith.constant 0 : i32
    %dma_start3A_20 = tpu.memref_slice %arg2[%mul3A_8, %dma_start3A_19] : memref<160000x128xf32, #tpu.memory_space<hbm>> -> memref<40x128xf32, #tpu.memory_space<hbm>>
    tpu.enqueue_dma source(%dma_start3A_20 : memref<40x128xf32, #tpu.memory_space<hbm>>) target(%dma_start3A_18 : memref<40x128xf32, #tpu.memory_space<vmem>>) target_semaphore(%arg9 : memref<!tpu.dma_semaphore, #tpu.memory_space<semaphore_mem>>)
    %add3A_21 = arith.constant 1 : i32
    %add3A_22 = arith.addi %mul3A_4, %add3A_21 : i32
    %mul3A_23 = arith.constant 40 : i32
    %mul3A_24 = arith.muli %add3A_22, %mul3A_23 : i32
    %dma_start3A_25 = arith.constant 1 : i32
    %dma_start3A_26 = arith.constant 0 : i32
    %dma_start3A_27 = arith.constant 0 : i32
    %dma_start3A_28 = tpu.memref_slice %arg7[%dma_start3A_25, %dma_start3A_26, %dma_start3A_27] : memref<4x40x128xf32, #tpu.memory_space<vmem>> -> memref<1x40x128xf32, #tpu.memory_space<vmem>>
    %dma_start3A_29 = tpu.memref_squeeze %dma_start3A_28 : memref<1x40x128xf32, #tpu.memory_space<vmem>> -> memref<40x128xf32, #tpu.memory_space<vmem>>
    %dma_start3A_30 = arith.constant 0 : i32
    %dma_start3A_31 = tpu.memref_slice %arg2[%mul3A_24, %dma_start3A_30] : memref<160000x128xf32, #tpu.memory_space<hbm>> -> memref<40x128xf32, #tpu.memory_space<hbm>>
    %dma_start3A_32 = arith.constant 0 : i32
    %dma_start3A_33 = arith.constant 0 : i32
    %dma_start3A_34 = tpu.memref_slice %arg7[%dma_start3A_25, %dma_start3A_32, %dma_start3A_33] : memref<4x40x128xf32, #tpu.memory_space<vmem>> -> memref<1x40x128xf32, #tpu.memory_space<vmem>>
    %dma_start3A_35 = tpu.memref_squeeze %dma_start3A_34 : memref<1x40x128xf32, #tpu.memory_space<vmem>> -> memref<40x128xf32, #tpu.memory_space<vmem>>
    %dma_start3A_36 = arith.constant 0 : i32
    %dma_start3A_37 = tpu.memref_slice %arg2[%mul3A_24, %dma_start3A_36] : memref<160000x128xf32, #tpu.memory_space<hbm>> -> memref<40x128xf32, #tpu.memory_space<hbm>>
    tpu.enqueue_dma source(%dma_start3A_37 : memref<40x128xf32, #tpu.memory_space<hbm>>) target(%dma_start3A_35 : memref<40x128xf32, #tpu.memory_space<vmem>>) target_semaphore(%arg9 : memref<!tpu.dma_semaphore, #tpu.memory_space<semaphore_mem>>)
    %add3A_38 = arith.constant 2 : i32
    %add3A_39 = arith.addi %mul3A_4, %add3A_38 : i32
    %mul3A_40 = arith.constant 40 : i32
    %mul3A_41 = arith.muli %add3A_39, %mul3A_40 : i32
    %dma_start3A_42 = arith.constant 2 : i32
    %dma_start3A_43 = arith.constant 0 : i32
    %dma_start3A_44 = arith.constant 0 : i32
    %dma_start3A_45 = tpu.memref_slice %arg7[%dma_start3A_42, %dma_start3A_43, %dma_start3A_44] : memref<4x40x128xf32, #tpu.memory_space<vmem>> -> memref<1x40x128xf32, #tpu.memory_space<vmem>>
    %dma_start3A_46 = tpu.memref_squeeze %dma_start3A_45 : memref<1x40x128xf32, #tpu.memory_space<vmem>> -> memref<40x128xf32, #tpu.memory_space<vmem>>
    %dma_start3A_47 = arith.constant 0 : i32
    %dma_start3A_48 = tpu.memref_slice %arg2[%mul3A_41, %dma_start3A_47] : memref<160000x128xf32, #tpu.memory_space<hbm>> -> memref<40x128xf32, #tpu.memory_space<hbm>>
    %dma_start3A_49 = arith.constant 0 : i32
    %dma_start3A_50 = arith.constant 0 : i32
    %dma_start3A_51 = tpu.memref_slice %arg7[%dma_start3A_42, %dma_start3A_49, %dma_start3A_50] : memref<4x40x128xf32, #tpu.memory_space<vmem>> -> memref<1x40x128xf32, #tpu.memory_space<vmem>>
    %dma_start3A_52 = tpu.memref_squeeze %dma_start3A_51 : memref<1x40x128xf32, #tpu.memory_space<vmem>> -> memref<40x128xf32, #tpu.memory_space<vmem>>
    %dma_start3A_53 = arith.constant 0 : i32
    %dma_start3A_54 = tpu.memref_slice %arg2[%mul3A_41, %dma_start3A_53] : memref<160000x128xf32, #tpu.memory_space<hbm>> -> memref<40x128xf32, #tpu.memory_space<hbm>>
    tpu.enqueue_dma source(%dma_start3A_54 : memref<40x128xf32, #tpu.memory_space<hbm>>) target(%dma_start3A_52 : memref<40x128xf32, #tpu.memory_space<vmem>>) target_semaphore(%arg9 : memref<!tpu.dma_semaphore, #tpu.memory_space<semaphore_mem>>)
    %add3A_55 = arith.constant 3 : i32
    %add3A_56 = arith.addi %mul3A_4, %add3A_55 : i32
    %mul3A_57 = arith.constant 40 : i32
    %mul3A_58 = arith.muli %add3A_56, %mul3A_57 : i32
    %dma_start3A_59 = arith.constant 3 : i32
    %dma_start3A_60 = arith.constant 0 : i32
    %dma_start3A_61 = arith.constant 0 : i32
    %dma_start3A_62 = tpu.memref_slice %arg7[%dma_start3A_59, %dma_start3A_60, %dma_start3A_61] : memref<4x40x128xf32, #tpu.memory_space<vmem>> -> memref<1x40x128xf32, #tpu.memory_space<vmem>>
    %dma_start3A_63 = tpu.memref_squeeze %dma_start3A_62 : memref<1x40x128xf32, #tpu.memory_space<vmem>> -> memref<40x128xf32, #tpu.memory_space<vmem>>
    %dma_start3A_64 = arith.constant 0 : i32
    %dma_start3A_65 = tpu.memref_slice %arg2[%mul3A_58, %dma_start3A_64] : memref<160000x128xf32, #tpu.memory_space<hbm>> -> memref<40x128xf32, #tpu.memory_space<hbm>>
    %dma_start3A_66 = arith.constant 0 : i32
    %dma_start3A_67 = arith.constant 0 : i32
    %dma_start3A_68 = tpu.memref_slice %arg7[%dma_start3A_59, %dma_start3A_66, %dma_start3A_67] : memref<4x40x128xf32, #tpu.memory_space<vmem>> -> memref<1x40x128xf32, #tpu.memory_space<vmem>>
    %dma_start3A_69 = tpu.memref_squeeze %dma_start3A_68 : memref<1x40x128xf32, #tpu.memory_space<vmem>> -> memref<40x128xf32, #tpu.memory_space<vmem>>
    %dma_start3A_70 = arith.constant 0 : i32
    %dma_start3A_71 = tpu.memref_slice %arg2[%mul3A_58, %dma_start3A_70] : memref<160000x128xf32, #tpu.memory_space<hbm>> -> memref<40x128xf32, #tpu.memory_space<hbm>>
    tpu.enqueue_dma source(%dma_start3A_71 : memref<40x128xf32, #tpu.memory_space<hbm>>) target(%dma_start3A_69 : memref<40x128xf32, #tpu.memory_space<vmem>>) target_semaphore(%arg9 : memref<!tpu.dma_semaphore, #tpu.memory_space<semaphore_mem>>)
    %scan3A = arith.constant 0 : i32
    %scan3A_72 = arith.constant 125 : i32
    %scan3A_73 = arith.addi %scan3A, %scan3A_72 : i32
    %scan3A_74 = arith.constant 1 : i32
    scf.for %scan3A_124 = %scan3A to %scan3A_73 step %scan3A_74  : i32 {
      %rem3A = arith.constant 4 : i32
      %rem3A_125 = arith.remsi %scan3A_124, %rem3A : i32
      %add3A_126 = arith.addi %mul3A_4, %scan3A_124 : i32
      %mul3A_127 = arith.constant 40 : i32
      %mul3A_128 = arith.muli %add3A_126, %mul3A_127 : i32
      %dma_wait3A_129 = arith.constant 0 : i32
      %dma_wait3A_130 = arith.constant 0 : i32
      %dma_wait3A_131 = tpu.memref_slice %arg7[%rem3A_125, %dma_wait3A_129, %dma_wait3A_130] : memref<4x40x128xf32, #tpu.memory_space<vmem>> -> memref<1x40x128xf32, #tpu.memory_space<vmem>>
      %dma_wait3A_132 = tpu.memref_squeeze %dma_wait3A_131 : memref<1x40x128xf32, #tpu.memory_space<vmem>> -> memref<40x128xf32, #tpu.memory_space<vmem>>
      %dma_wait3A_133 = arith.constant 0 : i32
      %dma_wait3A_134 = tpu.memref_slice %arg2[%mul3A_128, %dma_wait3A_133] : memref<160000x128xf32, #tpu.memory_space<hbm>> -> memref<40x128xf32, #tpu.memory_space<hbm>>
      %dma_wait3A_135 = arith.constant 0 : i32
      %dma_wait3A_136 = arith.constant 0 : i32
      %dma_wait3A_137 = tpu.memref_slice %arg7[%rem3A_125, %dma_wait3A_135, %dma_wait3A_136] : memref<4x40x128xf32, #tpu.memory_space<vmem>> -> memref<1x40x128xf32, #tpu.memory_space<vmem>>
      %dma_wait3A_138 = tpu.memref_squeeze %dma_wait3A_137 : memref<1x40x128xf32, #tpu.memory_space<vmem>> -> memref<40x128xf32, #tpu.memory_space<vmem>>
      %dma_wait3A_139 = arith.constant 0 : i32
      %dma_wait3A_140 = tpu.memref_slice %arg2[%mul3A_128, %dma_wait3A_139] : memref<160000x128xf32, #tpu.memory_space<hbm>> -> memref<40x128xf32, #tpu.memory_space<hbm>>
      tpu.wait_dma2 semaphore(%arg9 : memref<!tpu.dma_semaphore, #tpu.memory_space<semaphore_mem>>) src(%dma_wait3A_140 : memref<40x128xf32, #tpu.memory_space<hbm>>) dst(%dma_wait3A_138 : memref<40x128xf32, #tpu.memory_space<vmem>>)
      %dma_start3A_141 = arith.constant 0 : i32
      %dma_start3A_142 = arith.constant 0 : i32
      %dma_start3A_143 = tpu.memref_slice %arg7[%rem3A_125, %dma_start3A_141, %dma_start3A_142] : memref<4x40x128xf32, #tpu.memory_space<vmem>> -> memref<1x40x128xf32, #tpu.memory_space<vmem>>
      %dma_start3A_144 = tpu.memref_squeeze %dma_start3A_143 : memref<1x40x128xf32, #tpu.memory_space<vmem>> -> memref<40x128xf32, #tpu.memory_space<vmem>>
      %dma_start3A_145 = arith.constant 0 : i32
      %dma_start3A_146 = tpu.memref_slice %arg6[%scan3A_124, %dma_start3A_145] : memref<125x40xi32, #tpu.memory_space<vmem>> -> memref<1x40xi32, #tpu.memory_space<vmem>>
      %dma_start3A_147 = tpu.memref_squeeze %dma_start3A_146 : memref<1x40xi32, #tpu.memory_space<vmem>> -> memref<40xi32, #tpu.memory_space<vmem>>
      %dma_start3A_148 = arith.constant 0 : i32
      %dma_start3A_149 = arith.constant 0 : i32
      %dma_start3A_150 = tpu.memref_slice %arg8[%dma_start3A_148, %dma_start3A_149] : memref<10240x128xf32, #tpu.memory_space<vmem_shared>> -> memref<10240x128xf32, #tpu.memory_space<vmem_shared>>
      tpu.enqueue_indirect_dma source(%dma_start3A_144 : memref<40x128xf32, #tpu.memory_space<vmem>>) target(%dma_start3A_150 : memref<10240x128xf32, #tpu.memory_space<vmem_shared>>) offsets(%dma_start3A_147 : memref<40xi32, #tpu.memory_space<vmem>>) semaphore(%arg10 : memref<!tpu.dma_semaphore, #tpu.memory_space<semaphore_mem>>) {add = true}
      %add3A_151 = arith.constant 4 : i32
      %add3A_152 = arith.addi %scan3A_124, %add3A_151 : i32
      %lt3A = arith.constant 125 : i32
      %lt3A_153 = arith.cmpi slt, %add3A_152, %lt3A : i32
      %convert_element_type3A = arith.extui %lt3A_153 : i1 to i32
      %cond3A = arith.constant 0 : i32
      %cond3A_154 = arith.cmpi ne, %convert_element_type3A, %cond3A : i32
      scf.if %cond3A_154 {
        %dma_wait3A_155 = arith.constant 0 : i32
        %dma_wait3A_156 = arith.constant 0 : i32
        %dma_wait3A_157 = tpu.memref_slice %arg7[%rem3A_125, %dma_wait3A_155, %dma_wait3A_156] : memref<4x40x128xf32, #tpu.memory_space<vmem>> -> memref<1x40x128xf32, #tpu.memory_space<vmem>>
        %dma_wait3A_158 = tpu.memref_squeeze %dma_wait3A_157 : memref<1x40x128xf32, #tpu.memory_space<vmem>> -> memref<40x128xf32, #tpu.memory_space<vmem>>
        %dma_wait3A_159 = arith.constant 0 : i32
        %dma_wait3A_160 = tpu.memref_slice %arg6[%scan3A_124, %dma_wait3A_159] : memref<125x40xi32, #tpu.memory_space<vmem>> -> memref<1x40xi32, #tpu.memory_space<vmem>>
        %dma_wait3A_161 = tpu.memref_squeeze %dma_wait3A_160 : memref<1x40xi32, #tpu.memory_space<vmem>> -> memref<40xi32, #tpu.memory_space<vmem>>
        %dma_wait3A_162 = arith.constant 0 : i32
        %dma_wait3A_163 = arith.constant 0 : i32
        %dma_wait3A_164 = tpu.memref_slice %arg8[%dma_wait3A_162, %dma_wait3A_163] : memref<10240x128xf32, #tpu.memory_space<vmem_shared>> -> memref<10240x128xf32, #tpu.memory_space<vmem_shared>>
        tpu.wait_indirect_dma semaphore(%arg10 : memref<!tpu.dma_semaphore, #tpu.memory_space<semaphore_mem>>) src(%dma_wait3A_158 : memref<40x128xf32, #tpu.memory_space<vmem>>) dst(%dma_wait3A_164 : memref<10240x128xf32, #tpu.memory_space<vmem_shared>>)
        %add3A_165 = arith.addi %mul3A_4, %scan3A_124 : i32
        %add3A_166 = arith.constant 4 : i32
        %add3A_167 = arith.addi %add3A_165, %add3A_166 : i32
        %mul3A_168 = arith.constant 40 : i32
        %mul3A_169 = arith.muli %add3A_167, %mul3A_168 : i32
        %dma_start3A_170 = arith.constant 0 : i32
        %dma_start3A_171 = arith.constant 0 : i32
        %dma_start3A_172 = tpu.memref_slice %arg7[%rem3A_125, %dma_start3A_170, %dma_start3A_171] : memref<4x40x128xf32, #tpu.memory_space<vmem>> -> memref<1x40x128xf32, #tpu.memory_space<vmem>>
        %dma_start3A_173 = tpu.memref_squeeze %dma_start3A_172 : memref<1x40x128xf32, #tpu.memory_space<vmem>> -> memref<40x128xf32, #tpu.memory_space<vmem>>
        %dma_start3A_174 = arith.constant 0 : i32
        %dma_start3A_175 = tpu.memref_slice %arg2[%mul3A_169, %dma_start3A_174] : memref<160000x128xf32, #tpu.memory_space<hbm>> -> memref<40x128xf32, #tpu.memory_space<hbm>>
        %dma_start3A_176 = arith.constant 0 : i32
        %dma_start3A_177 = arith.constant 0 : i32
        %dma_start3A_178 = tpu.memref_slice %arg7[%rem3A_125, %dma_start3A_176, %dma_start3A_177] : memref<4x40x128xf32, #tpu.memory_space<vmem>> -> memref<1x40x128xf32, #tpu.memory_space<vmem>>
        %dma_start3A_179 = tpu.memref_squeeze %dma_start3A_178 : memref<1x40x128xf32, #tpu.memory_space<vmem>> -> memref<40x128xf32, #tpu.memory_space<vmem>>
        %dma_start3A_180 = arith.constant 0 : i32
        %dma_start3A_181 = tpu.memref_slice %arg2[%mul3A_169, %dma_start3A_180] : memref<160000x128xf32, #tpu.memory_space<hbm>> -> memref<40x128xf32, #tpu.memory_space<hbm>>
        tpu.enqueue_dma source(%dma_start3A_181 : memref<40x128xf32, #tpu.memory_space<hbm>>) target(%dma_start3A_179 : memref<40x128xf32, #tpu.memory_space<vmem>>) target_semaphore(%arg9 : memref<!tpu.dma_semaphore, #tpu.memory_space<semaphore_mem>>)
      } else {
      }
    }
    %scan3A_75 = arith.constant 125 : i32
    %dma_wait3A = arith.constant 0 : i32
    %dma_wait3A_76 = arith.constant 0 : i32
    %dma_wait3A_77 = arith.constant 0 : i32
    %dma_wait3A_78 = arith.constant 0 : i32
    %dma_wait3A_79 = tpu.memref_slice %arg7[%dma_wait3A, %dma_wait3A_77, %dma_wait3A_78] : memref<4x40x128xf32, #tpu.memory_space<vmem>> -> memref<1x40x128xf32, #tpu.memory_space<vmem>>
    %dma_wait3A_80 = tpu.memref_squeeze %dma_wait3A_79 : memref<1x40x128xf32, #tpu.memory_space<vmem>> -> memref<40x128xf32, #tpu.memory_space<vmem>>
    %dma_wait3A_81 = arith.constant 0 : i32
    %dma_wait3A_82 = tpu.memref_slice %arg6[%dma_wait3A_76, %dma_wait3A_81] : memref<125x40xi32, #tpu.memory_space<vmem>> -> memref<1x40xi32, #tpu.memory_space<vmem>>
    %dma_wait3A_83 = tpu.memref_squeeze %dma_wait3A_82 : memref<1x40xi32, #tpu.memory_space<vmem>> -> memref<40xi32, #tpu.memory_space<vmem>>
    %dma_wait3A_84 = arith.constant 0 : i32
    %dma_wait3A_85 = arith.constant 0 : i32
    %dma_wait3A_86 = tpu.memref_slice %arg8[%dma_wait3A_84, %dma_wait3A_85] : memref<10240x128xf32, #tpu.memory_space<vmem_shared>> -> memref<10240x128xf32, #tpu.memory_space<vmem_shared>>
    tpu.wait_indirect_dma semaphore(%arg10 : memref<!tpu.dma_semaphore, #tpu.memory_space<semaphore_mem>>) src(%dma_wait3A_80 : memref<40x128xf32, #tpu.memory_space<vmem>>) dst(%dma_wait3A_86 : memref<10240x128xf32, #tpu.memory_space<vmem_shared>>)
    %dma_wait3A_87 = arith.constant 1 : i32
    %dma_wait3A_88 = arith.constant 1 : i32
    %dma_wait3A_89 = arith.constant 0 : i32
    %dma_wait3A_90 = arith.constant 0 : i32
    %dma_wait3A_91 = tpu.memref_slice %arg7[%dma_wait3A_87, %dma_wait3A_89, %dma_wait3A_90] : memref<4x40x128xf32, #tpu.memory_space<vmem>> -> memref<1x40x128xf32, #tpu.memory_space<vmem>>
    %dma_wait3A_92 = tpu.memref_squeeze %dma_wait3A_91 : memref<1x40x128xf32, #tpu.memory_space<vmem>> -> memref<40x128xf32, #tpu.memory_space<vmem>>
    %dma_wait3A_93 = arith.constant 0 : i32
    %dma_wait3A_94 = tpu.memref_slice %arg6[%dma_wait3A_88, %dma_wait3A_93] : memref<125x40xi32, #tpu.memory_space<vmem>> -> memref<1x40xi32, #tpu.memory_space<vmem>>
    %dma_wait3A_95 = tpu.memref_squeeze %dma_wait3A_94 : memref<1x40xi32, #tpu.memory_space<vmem>> -> memref<40xi32, #tpu.memory_space<vmem>>
    %dma_wait3A_96 = arith.constant 0 : i32
    %dma_wait3A_97 = arith.constant 0 : i32
    %dma_wait3A_98 = tpu.memref_slice %arg8[%dma_wait3A_96, %dma_wait3A_97] : memref<10240x128xf32, #tpu.memory_space<vmem_shared>> -> memref<10240x128xf32, #tpu.memory_space<vmem_shared>>
    tpu.wait_indirect_dma semaphore(%arg10 : memref<!tpu.dma_semaphore, #tpu.memory_space<semaphore_mem>>) src(%dma_wait3A_92 : memref<40x128xf32, #tpu.memory_space<vmem>>) dst(%dma_wait3A_98 : memref<10240x128xf32, #tpu.memory_space<vmem_shared>>)
    %dma_wait3A_99 = arith.constant 2 : i32
    %dma_wait3A_100 = arith.constant 2 : i32
    %dma_wait3A_101 = arith.constant 0 : i32
    %dma_wait3A_102 = arith.constant 0 : i32
    %dma_wait3A_103 = tpu.memref_slice %arg7[%dma_wait3A_99, %dma_wait3A_101, %dma_wait3A_102] : memref<4x40x128xf32, #tpu.memory_space<vmem>> -> memref<1x40x128xf32, #tpu.memory_space<vmem>>
    %dma_wait3A_104 = tpu.memref_squeeze %dma_wait3A_103 : memref<1x40x128xf32, #tpu.memory_space<vmem>> -> memref<40x128xf32, #tpu.memory_space<vmem>>
    %dma_wait3A_105 = arith.constant 0 : i32
    %dma_wait3A_106 = tpu.memref_slice %arg6[%dma_wait3A_100, %dma_wait3A_105] : memref<125x40xi32, #tpu.memory_space<vmem>> -> memref<1x40xi32, #tpu.memory_space<vmem>>
    %dma_wait3A_107 = tpu.memref_squeeze %dma_wait3A_106 : memref<1x40xi32, #tpu.memory_space<vmem>> -> memref<40xi32, #tpu.memory_space<vmem>>
    %dma_wait3A_108 = arith.constant 0 : i32
    %dma_wait3A_109 = arith.constant 0 : i32
    %dma_wait3A_110 = tpu.memref_slice %arg8[%dma_wait3A_108, %dma_wait3A_109] : memref<10240x128xf32, #tpu.memory_space<vmem_shared>> -> memref<10240x128xf32, #tpu.memory_space<vmem_shared>>
    tpu.wait_indirect_dma semaphore(%arg10 : memref<!tpu.dma_semaphore, #tpu.memory_space<semaphore_mem>>) src(%dma_wait3A_104 : memref<40x128xf32, #tpu.memory_space<vmem>>) dst(%dma_wait3A_110 : memref<10240x128xf32, #tpu.memory_space<vmem_shared>>)
    %dma_wait3A_111 = arith.constant 3 : i32
    %dma_wait3A_112 = arith.constant 3 : i32
    %dma_wait3A_113 = arith.constant 0 : i32
    %dma_wait3A_114 = arith.constant 0 : i32
    %dma_wait3A_115 = tpu.memref_slice %arg7[%dma_wait3A_111, %dma_wait3A_113, %dma_wait3A_114] : memref<4x40x128xf32, #tpu.memory_space<vmem>> -> memref<1x40x128xf32, #tpu.memory_space<vmem>>
    %dma_wait3A_116 = tpu.memref_squeeze %dma_wait3A_115 : memref<1x40x128xf32, #tpu.memory_space<vmem>> -> memref<40x128xf32, #tpu.memory_space<vmem>>
    %dma_wait3A_117 = arith.constant 0 : i32
    %dma_wait3A_118 = tpu.memref_slice %arg6[%dma_wait3A_112, %dma_wait3A_117] : memref<125x40xi32, #tpu.memory_space<vmem>> -> memref<1x40xi32, #tpu.memory_space<vmem>>
    %dma_wait3A_119 = tpu.memref_squeeze %dma_wait3A_118 : memref<1x40xi32, #tpu.memory_space<vmem>> -> memref<40xi32, #tpu.memory_space<vmem>>
    %dma_wait3A_120 = arith.constant 0 : i32
    %dma_wait3A_121 = arith.constant 0 : i32
    %dma_wait3A_122 = tpu.memref_slice %arg8[%dma_wait3A_120, %dma_wait3A_121] : memref<10240x128xf32, #tpu.memory_space<vmem_shared>> -> memref<10240x128xf32, #tpu.memory_space<vmem_shared>>
    tpu.wait_indirect_dma semaphore(%arg10 : memref<!tpu.dma_semaphore, #tpu.memory_space<semaphore_mem>>) src(%dma_wait3A_116 : memref<40x128xf32, #tpu.memory_space<vmem>>) dst(%dma_wait3A_122 : memref<10240x128xf32, #tpu.memory_space<vmem_shared>>)
    %barrier3A_123 = arith.constant 0 : index
    tpu.barrier barrier_id(%barrier3A_123)
    "tpu.region"() ({
      %run_scoped3A = tpu.sem_alloc : memref<!tpu.dma_semaphore, #tpu.memory_space<semaphore_mem>>
      %dma_start3A_124 = arith.constant 0 : i32
      %dma_start3A_125 = tpu.memref_slice %arg5[%arg0, %mul3A_0, %dma_start3A_124] : memref<2x10240x128xf32, #tpu.memory_space<hbm>> -> memref<1x640x128xf32, #tpu.memory_space<hbm>>
      %dma_start3A_126 = tpu.memref_squeeze %dma_start3A_125 : memref<1x640x128xf32, #tpu.memory_space<hbm>> -> memref<640x128xf32, #tpu.memory_space<hbm>>
      %dma_start3A_127 = arith.constant 0 : i32
      %dma_start3A_128 = tpu.memref_slice %arg8[%mul3A_0, %dma_start3A_127] : memref<10240x128xf32, #tpu.memory_space<vmem_shared>> -> memref<640x128xf32, #tpu.memory_space<vmem_shared>>
      tpu.enqueue_dma source(%dma_start3A_128 : memref<640x128xf32, #tpu.memory_space<vmem_shared>>) target(%dma_start3A_126 : memref<640x128xf32, #tpu.memory_space<hbm>>) target_semaphore(%run_scoped3A : memref<!tpu.dma_semaphore, #tpu.memory_space<semaphore_mem>>)
      %dma_wait3A_129 = arith.constant 0 : i32
      %dma_wait3A_130 = tpu.memref_slice %arg5[%arg0, %mul3A_0, %dma_wait3A_129] : memref<2x10240x128xf32, #tpu.memory_space<hbm>> -> memref<1x640x128xf32, #tpu.memory_space<hbm>>
      %dma_wait3A_131 = tpu.memref_squeeze %dma_wait3A_130 : memref<1x640x128xf32, #tpu.memory_space<hbm>> -> memref<640x128xf32, #tpu.memory_space<hbm>>
      %dma_wait3A_132 = arith.constant 0 : i32
      %dma_wait3A_133 = tpu.memref_slice %arg8[%mul3A_0, %dma_wait3A_132] : memref<10240x128xf32, #tpu.memory_space<vmem_shared>> -> memref<640x128xf32, #tpu.memory_space<vmem_shared>>
      tpu.wait_dma2 semaphore(%run_scoped3A : memref<!tpu.dma_semaphore, #tpu.memory_space<semaphore_mem>>) src(%dma_wait3A_133 : memref<640x128xf32, #tpu.memory_space<vmem_shared>>) dst(%dma_wait3A_131 : memref<640x128xf32, #tpu.memory_space<hbm>>)
      tpu.yield
    }) : () -> ()
    return
  }
}

module attributes {stable_mosaic.version = 14 : i64} {
  func.func @_combine_body(%arg0: i32, %arg1: memref<2x1000x128xf32, #tpu.memory_space<vmem>>, %arg2: memref<1000x16xf32, #tpu.memory_space<vmem>>) attributes {dimension_semantics = [#tpu.dimension_semantics<arbitrary>], iteration_bounds = array<i64: 10>, scalar_prefetch = 0 : i64, scratch_operands = 0 : i64, tpu.core_type = #tpu.core_type<tc>, window_params = [{transform_indices = @transform_0, window_bounds = array<i64: 2, 1000, 128>}, {transform_indices = @transform_1, window_bounds = array<i64: 1000, 16>}]} {
    %get3A = arith.constant 0 : index
    %get3A_0 = arith.constant 0 : index
    %get3A_1 = arith.constant 0 : index
    %get3A_2 = vector.load %arg1[%get3A, %get3A_0, %get3A_1] : memref<2x1000x128xf32, #tpu.memory_space<vmem>>, vector<1x1000x16xf32>
    %get3A_3 = vector.shape_cast %get3A_2 : vector<1x1000x16xf32> to vector<1000x16xf32>
    %get3A_4 = arith.constant 1 : index
    %get3A_5 = arith.constant 0 : index
    %get3A_6 = arith.constant 0 : index
    %get3A_7 = vector.load %arg1[%get3A_4, %get3A_5, %get3A_6] : memref<2x1000x128xf32, #tpu.memory_space<vmem>>, vector<1x1000x16xf32>
    %get3A_8 = vector.shape_cast %get3A_7 : vector<1x1000x16xf32> to vector<1000x16xf32>
    %add3A = arith.addf %get3A_3, %get3A_8 : vector<1000x16xf32>
    %swap3A = arith.constant 0 : index
    %swap3A_9 = arith.constant 0 : index
    %swap3A_10 = vector.load %arg2[%swap3A, %swap3A_9] : memref<1000x16xf32, #tpu.memory_space<vmem>>, vector<1000x16xf32>
    tpu.vector_store %arg2[%swap3A, %swap3A_9], %add3A {strides = array<i32>} : memref<1000x16xf32, #tpu.memory_space<vmem>>, vector<1000x16xf32>,
    return
  }
  func.func @transform_0(%arg0: i32) -> (i32, i32, i32) {
    %c0_i32 = arith.constant 0 : i32
    %c0_i32_0 = arith.constant 0 : i32
    %c0_i32_1 = arith.constant 0 : i32
    return %c0_i32, %arg0, %c0_i32_0 : i32, i32, i32
  }
  func.func @transform_1(%arg0: i32) -> (i32, i32) {
    %c0_i32 = arith.constant 0 : i32
    %c0_i32_0 = arith.constant 0 : i32
    return %arg0, %c0_i32 : i32, i32
  }
}

module attributes {stable_mosaic.version = 14 : i64} {
  func.func @_compute_body(%arg0: i32, %arg1: memref<3200x128xf32, #tpu.memory_space<vmem>>, %arg2: memref<64x3200xf32, #tpu.memory_space<vmem>>, %arg3: memref<1x3200xf32, #tpu.memory_space<vmem>>, %arg4: memref<64x16xf32, #tpu.memory_space<vmem>>, %arg5: memref<1x16xf32, #tpu.memory_space<vmem>>, %arg6: memref<16x256xf32, #tpu.memory_space<vmem>>, %arg7: memref<1x256xf32, #tpu.memory_space<vmem>>, %arg8: memref<16x256xf32, #tpu.memory_space<vmem>>, %arg9: memref<256x128xf32, #tpu.memory_space<vmem>>, %arg10: memref<3200x128xf32, #tpu.memory_space<vmem>>) attributes {dimension_semantics = [#tpu.dimension_semantics<arbitrary>], iteration_bounds = array<i64: 50>, scalar_prefetch = 0 : i64, scratch_operands = 0 : i64, tpu.core_type = #tpu.core_type<tc>, window_params = [{transform_indices = @transform_0, window_bounds = array<i64: 3200, 128>}, {transform_indices = @transform_1, window_bounds = array<i64: 64, 3200>}, {transform_indices = @transform_2, window_bounds = array<i64: 1, 3200>}, {pipeline_mode = #tpu.pipeline_mode<synchronous>, transform_indices = @transform_3, window_bounds = array<i64: 64, 16>}, {pipeline_mode = #tpu.pipeline_mode<synchronous>, transform_indices = @transform_4, window_bounds = array<i64: 1, 16>}, {pipeline_mode = #tpu.pipeline_mode<synchronous>, transform_indices = @transform_5, window_bounds = array<i64: 16, 256>}, {pipeline_mode = #tpu.pipeline_mode<synchronous>, transform_indices = @transform_6, window_bounds = array<i64: 1, 256>}, {pipeline_mode = #tpu.pipeline_mode<synchronous>, transform_indices = @transform_7, window_bounds = array<i64: 16, 256>}, {pipeline_mode = #tpu.pipeline_mode<synchronous>, transform_indices = @transform_8, window_bounds = array<i64: 256, 128>}, {transform_indices = @transform_9, window_bounds = array<i64: 3200, 128>}]} {
    %get3A = arith.constant 0 : index
    %get3A_0 = arith.constant 0 : index
    %get3A_1 = vector.load %arg1[%get3A, %get3A_0] : memref<3200x128xf32, #tpu.memory_space<vmem>>, vector<3200x16xf32>
    %get3A_2 = arith.constant 0 : index
    %get3A_3 = arith.constant 0 : index
    %get3A_4 = vector.load %arg2[%get3A_2, %get3A_3] : memref<64x3200xf32, #tpu.memory_space<vmem>>, vector<64x3200xf32>
    %get3A_5 = arith.constant 0 : index
    %get3A_6 = arith.constant 0 : index
    %get3A_7 = vector.load %arg4[%get3A_5, %get3A_6] : memref<64x16xf32, #tpu.memory_space<vmem>>, vector<64x16xf32>
    %dot_general3A = arith.constant dense<0.000000e+00> : vector<3200x16xf32>
    %dot_general3A_8 = tpu.matmul %get3A_4, %get3A_7, %dot_general3A {dimension_numbers = #tpu.dot_dimension_numbers<[0], [0], [1], [1], [0, 1, 1, 1], [], []>, transpose_lhs_hint = false} : vector<64x3200xf32>, vector<64x16xf32>, vector<3200x16xf32> -> vector<3200x16xf32>
    %get3A_9 = arith.constant 0 : index
    %get3A_10 = arith.constant 0 : index
    %get3A_11 = vector.load %arg5[%get3A_9, %get3A_10] : memref<1x16xf32, #tpu.memory_space<vmem>>, vector<1x16xf32>
    %add3A = vector.broadcast %get3A_11 : vector<1x16xf32> to vector<3200x16xf32>
    %add3A_12 = arith.addf %dot_general3A_8, %add3A : vector<3200x16xf32>
    %logistic3A = arith.negf %add3A_12 : vector<3200x16xf32>
    %logistic3A_13 = math.exp %logistic3A : vector<3200x16xf32>
    %logistic3A_14 = arith.constant 1.000000e+00 : f32
    %logistic3A_15 = vector.broadcast %logistic3A_14 : f32 to vector<3200x16xf32>
    %logistic3A_16 = arith.addf %logistic3A_15, %logistic3A_13 : vector<3200x16xf32>
    %logistic3A_17 = arith.divf %logistic3A_15, %logistic3A_16 : vector<3200x16xf32>
    %mul3A = arith.mulf %add3A_12, %logistic3A_17 : vector<3200x16xf32>
    %get3A_18 = arith.constant 0 : index
    %get3A_19 = arith.constant 0 : index
    %get3A_20 = vector.load %arg6[%get3A_18, %get3A_19] : memref<16x256xf32, #tpu.memory_space<vmem>>, vector<16x256xf32>
    %dot_general3A_21 = arith.constant dense<0.000000e+00> : vector<3200x256xf32>
    %dot_general3A_22 = tpu.matmul %mul3A, %get3A_20, %dot_general3A_21 {dimension_numbers = #tpu.dot_dimension_numbers<[1], [0], [0], [1], [0, 0, 1, 1], [], []>, transpose_lhs_hint = false} : vector<3200x16xf32>, vector<16x256xf32>, vector<3200x256xf32> -> vector<3200x256xf32>
    %get3A_23 = arith.constant 0 : index
    %get3A_24 = arith.constant 0 : index
    %get3A_25 = vector.load %arg7[%get3A_23, %get3A_24] : memref<1x256xf32, #tpu.memory_space<vmem>>, vector<1x256xf32>
    %add3A_26 = vector.broadcast %get3A_25 : vector<1x256xf32> to vector<3200x256xf32>
    %add3A_27 = arith.addf %dot_general3A_22, %add3A_26 : vector<3200x256xf32>
    %get3A_28 = arith.constant 0 : index
    %get3A_29 = arith.constant 0 : index
    %get3A_30 = vector.load %arg8[%get3A_28, %get3A_29] : memref<16x256xf32, #tpu.memory_space<vmem>>, vector<16x256xf32>
    %dot_general3A_31 = arith.constant dense<0.000000e+00> : vector<3200x256xf32>
    %dot_general3A_32 = tpu.matmul %get3A_1, %get3A_30, %dot_general3A_31 {dimension_numbers = #tpu.dot_dimension_numbers<[1], [0], [0], [1], [0, 0, 1, 1], [], []>, transpose_lhs_hint = false} : vector<3200x16xf32>, vector<16x256xf32>, vector<3200x256xf32> -> vector<3200x256xf32>
    %get3A_33 = arith.constant 0 : index
    %get3A_34 = arith.constant 0 : index
    %get3A_35 = vector.load %arg3[%get3A_33, %get3A_34] : memref<1x3200xf32, #tpu.memory_space<vmem>>, vector<1x3200xf32>
    %transpose3A = tpu.transpose %get3A_35, [1, 0] : vector<1x3200xf32> -> vector<3200x1xf32>
    %mul3A_36 = arith.mulf %add3A_27, %dot_general3A_32 : vector<3200x256xf32>
    %mul3A_37 = arith.constant 2.500000e-01 : f32
    %mul3A_38 = vector.broadcast %mul3A_37 : f32 to vector<3200x1xf32>
    %mul3A_39 = arith.mulf %transpose3A, %mul3A_38 : vector<3200x1xf32>
    %mul3A_40 = vector.broadcast %mul3A_39 : vector<3200x1xf32> to vector<3200x256xf32>
    %mul3A_41 = arith.mulf %mul3A_36, %mul3A_40 : vector<3200x256xf32>
    %get3A_42 = arith.constant 0 : index
    %get3A_43 = arith.constant 0 : index
    %get3A_44 = vector.load %arg9[%get3A_42, %get3A_43] : memref<256x128xf32, #tpu.memory_space<vmem>>, vector<256x128xf32>
    %dot_general3A_45 = arith.constant dense<0.000000e+00> : vector<3200x128xf32>
    %dot_general3A_46 = tpu.matmul %mul3A_41, %get3A_44, %dot_general3A_45 {dimension_numbers = #tpu.dot_dimension_numbers<[1], [0], [0], [1], [0, 0, 1, 1], [], []>, transpose_lhs_hint = false} : vector<3200x256xf32>, vector<256x128xf32>, vector<3200x128xf32> -> vector<3200x128xf32>
    %swap3A = arith.constant 0 : index
    %swap3A_47 = arith.constant 0 : index
    %swap3A_48 = vector.load %arg10[%swap3A, %swap3A_47] : memref<3200x128xf32, #tpu.memory_space<vmem>>, vector<3200x128xf32>
    tpu.vector_store %arg10[%swap3A, %swap3A_47], %dot_general3A_46 {strides = array<i32>} : memref<3200x128xf32, #tpu.memory_space<vmem>>, vector<3200x128xf32>,
    return
  }
  func.func @transform_0(%arg0: i32) -> (i32, i32) {
    %c0_i32 = arith.constant 0 : i32
    %c0_i32_0 = arith.constant 0 : i32
    return %arg0, %c0_i32 : i32, i32
  }
  func.func @transform_1(%arg0: i32) -> (i32, i32) {
    %c0_i32 = arith.constant 0 : i32
    %c0_i32_0 = arith.constant 0 : i32
    return %c0_i32, %arg0 : i32, i32
  }
  func.func @transform_2(%arg0: i32) -> (i32, i32) {
    %c0_i32 = arith.constant 0 : i32
    %c0_i32_0 = arith.constant 0 : i32
    return %c0_i32, %arg0 : i32, i32
  }
  func.func @transform_3(%arg0: i32) -> (i32, i32) {
    %c0_i32 = arith.constant 0 : i32
    %c0_i32_0 = arith.constant 0 : i32
    %c0_i32_1 = arith.constant 0 : i32
    return %c0_i32, %c0_i32_0 : i32, i32
  }
  func.func @transform_4(%arg0: i32) -> (i32, i32) {
    %c0_i32 = arith.constant 0 : i32
    %c0_i32_0 = arith.constant 0 : i32
    %c0_i32_1 = arith.constant 0 : i32
    return %c0_i32, %c0_i32_0 : i32, i32
  }
  func.func @transform_5(%arg0: i32) -> (i32, i32) {
    %c0_i32 = arith.constant 0 : i32
    %c0_i32_0 = arith.constant 0 : i32
    %c0_i32_1 = arith.constant 0 : i32
    return %c0_i32, %c0_i32_0 : i32, i32
  }
  func.func @transform_6(%arg0: i32) -> (i32, i32) {
    %c0_i32 = arith.constant 0 : i32
    %c0_i32_0 = arith.constant 0 : i32
    %c0_i32_1 = arith.constant 0 : i32
    return %c0_i32, %c0_i32_0 : i32, i32
  }
  func.func @transform_7(%arg0: i32) -> (i32, i32) {
    %c0_i32 = arith.constant 0 : i32
    %c0_i32_0 = arith.constant 0 : i32
    %c0_i32_1 = arith.constant 0 : i32
    return %c0_i32, %c0_i32_0 : i32, i32
  }
  func.func @transform_8(%arg0: i32) -> (i32, i32) {
    %c0_i32 = arith.constant 0 : i32
    %c0_i32_0 = arith.constant 0 : i32
    %c0_i32_1 = arith.constant 0 : i32
    return %c0_i32, %c0_i32_0 : i32, i32
  }
  func.func @transform_9(%arg0: i32) -> (i32, i32) {
    %c0_i32 = arith.constant 0 : i32
    %c0_i32_0 = arith.constant 0 : i32
    return %arg0, %c0_i32 : i32, i32
  }
}

</mosaic_0001>

<sc_bundles>
// kernel: kernel.6.cloned.1.call-start
scs
__scs_entry_jumppad:
0x0: {  	(pc) =	sbr.rel $0x88, $3  }
0x1: {  	(tag) =	ssettag $0x0;
	lr =	simm.s32 $0x1  }
0x2: {  	[smem:$0x3F98] =	sst lr;
	_ =	strace $0xD0000000  }
0x3: {  	_ = 	snop  }
0x4: {  	_ = 	snop  }
0x5: {  	_ = 	snop  }
0x6: {  	_ = 	snop  }
0x7: {  	_ = 	snop  }
__scs_overlays_trampoline_lowered:
0x8: {  	[smem:$0x3FA7] =	sst s0  }
0x9: {  	[smem:$0x3FA8] =	sst s1  }
0xa: {  	[smem:$0x3FA9] =	sst s2  }
0xb: {  	[smem:$0x3FAA] =	sst s3  }
0xc: {  	[smem:$0x3FAB] =	sst s4  }
0xd: {  	[smem:$0x3FAC] =	sst s5  }
0xe: {  	[smem:$0x3FAD] =	sst s6  }
0xf: {  	[smem:$0x3FAE] =	sst s7  }
0x10: {  	[smem:$0x3FAF] =	sst s8  }
0x11: {  	[smem:$0x3FB0] =	sst s9;
	s0 =	simm.s32 @!p0 $0x0  }
0x12: {  	s1 =	sld [smem:$0x3F96];
	s0 =	simm.s32 @p0 $0x1  }
0x13: {  	[smem:$0x3FB1] =	sst s0;
	s0 =	simm.s32 @!p1 $0x0  }
0x14: {  	s2 =	sld [smem:$0x3F95];
	s0 =	simm.s32 @p1 $0x1  }
0x15: {  	[smem:$0x3FB2] =	sst s0;
	s0 =	simm.s32 @!p2 $0x0  }
0x16: {  	s3 =	sld [smem:$0x3FDB];
	s0 =	simm.s32 @p2 $0x1  }
0x17: {  	s4 =	simm.s32 $0x1BF5;
	[smem:$0x3FB4] =	sst s0  }
0x18: {  	s0 =	sld [smem:$0x3F97];
	_ =	swait.ge [sflag:s4], $0x0  }
0x19: {  	s7 =	sld [smem:$0x3F98]  }
0x1a: {  	s8 =	sadd.s32 $0xFFFFE003, lr  }
0x1b: {  	s9 =	sadd.s32 $0xFFFFFEF7, lr;
	s5 =	simm.s32 $0xFFFFFFFF;
	p2 =	slt.u32 s8, $0xFFFFF086  }
0x1c: {  	p1 =	slt.u32 s9, $0xF7A;
	s5 =	simm.s32 @!p2 $0x0  }
0x1d: {  	s5 =	simm.s32 @p1 $0x1;
	p0 =	seq.s32 s7, s2  }
0x1e: {  	s7 =	smul.u32 @!p0 $0xF7A, s2;
	p2 =	seq.s32 @!p0 s5, $0x0  }
0x1f: {  	s9 =	smul.u32 $0xF7A, s1;
	s8 =	simm.s32 @!p0 $0x1BF5;
	p2 =	por !p2, p0  }
0x20: {  	[sflag:s8] =	ssyncset.s32 @!p0 $0xFFFFF086;
	s6 =	sadd.s32 @!p0 s3, s7;
	s7 =	simm.s32 @!p0 $0x108  }
0x21: {  	s3 =	sadd.s32 s3, s9;
	s6 =	sadd.s32 @!p0 $0x88, s6;
	s7 =	simm.s32 @p2 $0x1082  }
0x22: {  	[simem:s7], [sflag:s8] =	dma.local @!p0 [hbm:s6], $0xF7A  }
0x23: {  	s9 =	sor.u32 $0xD0000000, s2;
	s6 =	simm.s32 $0x108;
	_ =	swait.ge @!p0 [sflag:s8], $0x0  }
0x24: {  	s3 =	sadd.s32 $0x88, s3;
	s6 =	simm.s32 @!p1 $0x1082;
	[sflag:s4] =	ssyncset.s32 $0xFFFFF086  }
0x25: {  	[simem:s6], [sflag:s4] =	dma.local [hbm:s3], $0xF7A  }
0x26: {  	[smem:$0x3F98] =	sst s1;
	(tag) =	ssettag s2;
	_ =	strace s9  }
0x27: {  	s1 =	sld [smem:$0x3FA8]  }
0x28: {  	s2 =	sld [smem:$0x3FA9]  }
0x29: {  	s4 =	sld [smem:$0x3FAB]  }
0x2a: {  	p0 =	seq.s32 s5, $0x0;
	s5 =	sld [smem:$0x3FAC]  }
0x2b: {  	s6 =	sld [smem:$0x3FAD]  }
0x2c: {  	s7 =	sld [smem:$0x3FAE]  }
0x2d: {  	s3 =	simm.s32 $0x108;
	s8 =	sld [smem:$0x3FAF]  }
0x2e: {  	s3 =	simm.s32 @!p0 $0x1082;
	s9 =	sld [smem:$0x3FB0]  }
0x2f: {  	lr =	sadd.s32 s0, s3;
	s0 =	sld [smem:$0x3FA7]  }
0x30: {  	s3 =	sld [smem:$0x3FAA]  }
0x31: {  	[smem:$0x3FB3] =	sst s10  }
0x32: {  	s10 =	sld [smem:$0x3FB1];
	_ =	sdelay $0x3  }
0x33: {  	p0 =	seq.s32 s10, $0x1;
	s10 =	sld [smem:$0x3FB3];
	_ =	sdelay $0x3  }
0x34: {  	[smem:$0x3FB3] =	sst s10  }
0x35: {  	s10 =	sld [smem:$0x3FB2];
	_ =	sdelay $0x3  }
0x36: {  	p1 =	seq.s32 s10, $0x1;
	s10 =	sld [smem:$0x3FB3];
	_ =	sdelay $0x3  }
0x37: {  	[smem:$0x3FB3] =	sst s10  }
0x38: {  	s10 =	sld [smem:$0x3FB4]  }
0x39: {  	_ = 	snop;
	(pc) =	sbr.ind lr, $3  }
0x3a: {  	_ = 	snop  }
0x3b: {  	_ = 	snop  }
0x3c: {  	p2 =	seq.s32 s10, $0x1;
	s10 =	sld [smem:$0x3FB3]  }
0x3d: {  	_ =	shalt  }
0x3e: {  	_ =	shalt  }
0x3f: {  	_ =	shalt  }
0x40: {  	_ =	shalt  }
0x41: {  	_ =	shalt  }
0x42: {  	_ =	shalt  }
0x43: {  	_ =	shalt  }
0x44: {  	_ =	shalt  }
0x45: {  	_ =	shalt  }
0x46: {  	_ =	shalt  }
0x47: {  	_ =	shalt  }
0x48: {  	_ =	shalt  }
0x49: {  	_ =	shalt  }
0x4a: {  	_ =	shalt  }
0x4b: {  	_ =	shalt  }
0x4c: {  	_ =	shalt  }
0x4d: {  	_ =	shalt  }
0x4e: {  	_ =	shalt  }
0x4f: {  	_ =	shalt  }
0x50: {  	_ =	shalt  }
0x51: {  	_ =	shalt  }
0x52: {  	_ =	shalt  }
0x53: {  	_ =	shalt  }
0x54: {  	_ =	shalt  }
0x55: {  	_ =	shalt  }
0x56: {  	_ =	shalt  }
0x57: {  	_ =	shalt  }
0x58: {  	_ =	shalt  }
0x59: {  	_ =	shalt  }
0x5a: {  	_ =	shalt  }
0x5b: {  	_ =	shalt  }
0x5c: {  	_ =	shalt  }
0x5d: {  	_ =	shalt  }
0x5e: {  	_ =	shalt  }
0x5f: {  	_ =	shalt  }
0x60: {  	_ =	shalt  }
0x61: {  	_ =	shalt  }
0x62: {  	_ =	shalt  }
0x63: {  	_ =	shalt  }
0x64: {  	_ =	shalt  }
0x65: {  	_ =	shalt  }
0x66: {  	_ =	shalt  }
0x67: {  	_ =	shalt  }
0x68: {  	_ =	shalt  }
0x69: {  	_ =	shalt  }
0x6a: {  	_ =	shalt  }
0x6b: {  	_ =	shalt  }
0x6c: {  	_ =	shalt  }
0x6d: {  	_ =	shalt  }
0x6e: {  	_ =	shalt  }
0x6f: {  	_ =	shalt  }
0x70: {  	_ =	shalt  }
0x71: {  	_ =	shalt  }
0x72: {  	_ =	shalt  }
0x73: {  	_ =	shalt  }
0x74: {  	_ =	shalt  }
0x75: {  	_ =	shalt  }
0x76: {  	_ =	shalt  }
0x77: {  	_ =	shalt  }
0x78: {  	_ =	shalt  }
0x79: {  	_ =	shalt  }
0x7a: {  	_ =	shalt  }
0x7b: {  	_ =	shalt  }
0x7c: {  	_ =	shalt  }
0x7d: {  	_ =	shalt  }
0x7e: {  	_ =	shalt  }
0x7f: {  	_ =	shalt  }
0x80: {  	_ =	shalt  }
0x81: {  	_ =	shalt  }
0x82: {  	_ =	shalt  }
0x83: {  	_ =	shalt  }
0x84: {  	_ =	shalt  }
0x85: {  	_ =	shalt  }
0x86: {  	_ =	shalt  }
0x87: {  	_ =	shalt  }
.Lfunc_end0:
.L_simem_size_0:
called_computation_lowered:
.L_overlay_start_0:
0x88: {  	s2 =	sld [smem:$0x3FD9]  }
0x89: {  	s3 =	sld [smem:$0x3FFE];
	_ =	sdelay $0x1  }
0x8a: {  	s1 =	srdreg.scid  }
0x8b: {  	s0 =	sand.u32 $0x1, s1  }
0x8c: {  	s16 =	sshll.u32 s0, $0xA;
	s2 =	sadd.s32 s3, s2  }
0x8d: {  	s2 =	sadd.s32 s2, s16  }
0x8e: {  	[smem:$0x3FBF] =	sst s2  }
0x8f: {  	_ = 	snop  }
0x90: {  	(tm) =	ssettm $0x1  }
0x91: {  	s17 =	sld [smem:$0x3FFB];
	_ =	sdelay $0x3  }
0x92: {  	_ =	strace s17  }
0x93: {  	s2 =	sld [smem:$0x3FFC];
	_ =	sdelay $0x3  }
0x94: {  	_ =	strace s2  }
0x95: {  	s2 =	sld [smem:$0x3FFD];
	_ =	sdelay $0x3  }
0x96: {  	_ =	strace s2  }
0x97: {  	_ =	strace $0x8FFFFFFF  }
0x98: {  	s18 =	sld [smem:$0x3FDB];
	_ =	sdelay $0x1  }
0x99: {  	s19 =	simm.s32 $_scs_section_size  }
0x9a: {  	s4 =	simm.s32 $_size__tile_overlayer_lowered;
	s5 =	simm.s32 $_tile_overlayer_lowered  }
0x9b: {  	s22 =	simm.s32 $0x1BFF;
	s21 =	sshll.u32 s5, $0x1;
	s2 =	sadd.s32 s19, s18  }
0x9c: {  	s6 =	simm.s32 $0x0;
	s20 =	sshll.u32 s4, $0x1;
	s4 =	sadd.s32 s21, s2  }
0x9d: {  	[timem:s6], [sflag:s22] =	dma.local [hbm:s4], s20  }
0x9e: {  	_ =	swait.ge [sflag:s22], s20  }
0x9f: {  	s3 =	ssub.s32 $0x0, s20;
	[sflag:s22] =	ssyncset.done $0x0  }
0xa0: {  	[sflag:s22] =	ssyncadd.s32 s3;
	_ =	sdelay $0x1  }
0xa1: {  	s23 =	simm.s32 $0x1B8B  }
0xa2: {  	_ =	swait.ge [sflag:s23], $0x1  }
0xa3: {  	[sflag:s23] =	ssyncset.done $0x0  }
0xa4: {  	s25 =	simm.s32 $0x1B8E;
	s24 =	sld [smem:$0x3FFE];
	[sflag:s23] =	ssyncadd.s32 $0xFFFFFFFF  }
0xa5: {  	s26 =	simm.s32 $execute0_lowered;
	[smem:$0x3FD2] =	sst s25  }
0xa6: {  	s4 =	sshll.u32 s26, $0x1;
	_ =	strace $0x80000046;
	[dreg:$0x1] =	wrdreg $0xFFFFFFFF  }
0xa7: {  	s28 =	simm.s32 $_size_execute0_lowered;
	s2 =	sadd.s32 s2, s4;
	[dreg:$0x0] =	wrdreg $0x0  }
0xa8: {  	s4 =	sshll.u32 s28, $0x1;
	[dreg:$0x2] =	wrdreg s2  }
0xa9: {  	[dreg:$0x3] =	wrdreg s4  }
0xaa: {  	[dreg:$0x4] =	wrdreg $0xC0  }
0xab: {  	_ =	task [dreg:s6], $0x5FFFF  }
0xac: {  	[dreg:$0x1] =	wrdreg $0xFFFFFFFF  }
0xad: {  	[dreg:$0x0] =	wrdreg $0x60  }
0xae: {  	[dreg:$0x2] =	wrdreg s24  }
0xaf: {  	[dreg:$0x3] =	wrdreg $0x9  }
0xb0: {  	_ =	task.clear_ibuf [dreg:s6], $0x4FFFF;
	_ =	strace $0x90000046  }
0xb1: {  	s29 =	simm.s32 $0x9;
	_ =	strace $0x80000048  }
0xb2: {  	_ =	swait.ge [sflag:s29], $0x1  }
0xb3: {  	[sflag:s29] =	ssyncadd.s32 $0xFFFFFFFF  }
0xb4: {  	_ =	strace $0x90000048  }
0xb5: {  	_ =	sfence  }
0xb6: {  	s30 =	sld [smem:$0x0];
	_ =	sdelay $0x2  }
0xb7: {  	s31 =	sshll.u32 s1, $0xD;
	s1 =	sshrl.u32 s1, $0x2  }
0xb8: {  	s3 =	sand.u32 $0x4000, s31;
	s1 =	sadd.s32 s1, s30  }
0xb9: {  	s0 =	sor.u32 s3, s0;
	s1 =	sshll.u32 s1, $0x11  }
0xba: {  	s0 =	sor.u32 s1, s0  }
0xbb: {  	s0 =	sadd.s32 $0x8F2B, s0  }
0xbc: {  	[sflag:s0] =	ssyncadd.remote.s32 $0x1  }
0xbd: {  	_ =	sfence.sel $0xFFFF  }
0xbe: {  	[dreg:$0x0] =	wrdreg $0xFFFFFFFF;
	(pc) =	sbr.abs _section_cstart, $3  }
0xbf: {  	[dreg:$0x1] =	wrdreg $0xFFFFFFFF  }
0xc0: {  	_ =	task.clear_ibuf [dreg:s6], $0x2FFFF;
	_ =	strace $0x9FFFFFFF  }
0xc1: {  	(tm) =	ssettm $0x7FFFFFFF  }
tec
execute0_lowered:
.L_overlay_start_1:
0x0: {  	(tag) =	ssettag $0x1  }
0x1: {  	s0 =	rddreg [dreg:$0x0];
	s2 =	simm.s32 $0x0  }
0x2: {  	s1 =	srdreg.scid;
	s7 =	stileid.u32;
	s8 =	simm.s32 $0x28  }
0x3: {  	s13 =	simm.s32 $0x6800;
	s14 =	simm.s32 $0x180;
	s15 =	simm.s32 $0x7C00  }
0x4: {  	s16 =	simm.s32 $0x200;
	s17 =	simm.s32 $0x9000;
	s18 =	simm.s32 $0x280  }
0x5: {  	s19 =	simm.s32 $0xA400;
	s20 =	simm.s32 $0x300;
	s21 =	simm.s32 $0xB800  }
0x6: {  	s22 =	simm.s32 $0x380;
	s23 =	simm.s32 $0xCC00;
	s24 =	simm.s32 $0x1  }
0x7: {  	s25 =	simm.s32 $0x2;
	s26 =	simm.s32 $0x0;
	[smem:$0x7FF] =	sst s2  }
0x8: {  	s1 =	sand.u32 $0x1, s1;
	s4 =	sshll.u32 s7, $0xB;
	s7 =	smul.u32 $0x13880, s7  }
0x9: {  	s3 =	sadd.s32 $0x1800, s0;
	s5 =	sshll.u32 s1, $0xF;
	s6 =	smul.u32 $0x138800, s1  }
0xa: {  	_ =	strace $0x80000047;
	s1 =	ssub.s32 $0x2, s1;
	s4 =	sor.u32 s4, s5  }
0xb: {  	s31 =	sshrl.u32 s1, $0x1;
	s4 =	sadd.s32 s4, s0;
	s0 =	sadd.s32 s6, s0  }
0xc: {  	s1 =	ssub.s32 s1, s31;
	s4 =	sadd.s32 $0x28A00, s4;
	s0 =	sadd.s32 s7, s0  }
0xd: {  	s5 =	smax.u32 s1, $0x1;
	s7 =	simm.s32 $0x3;
	s6 =	sadd.s32 $0x38A00, s0  }
.LBB2_1:
0xe: {  	[tilespmem:s2], [sflag:$0x3] =	stream.linear.gather [hbm4b:s4+s2], $0x3E80, $0x38;
	[tilespmem:$0xE000] =	vst v63  }
0xf: {  	_ =	swait.ge [sflag:s7], $0x3E80  }
0x10: {  	[sflag:s7] =	ssyncset.done $0x0  }
0x11: {  	s0 =	simm.s32 $0x4000;
	[sflag:s7] =	ssyncadd.s32 $0xFFFFC180  }
0x12: {  	[tilespmem:s0], [sflag:$0x1] =	stream.indirect.gather [hbm4b:s3+s8], $0x80, s2, s8, $0xb8;
	[tilespmem:$0xE000] =	vst v63  }
0x13: {  	s10 =	simm.s32 $0x80;
	s1 =	simm.s32 $0x5400  }
0x14: {  	[tilespmem:s1], [sflag:$0x1] =	stream.indirect.gather [hbm4b:s3+s8], $0x80, s10, s8, $0xb8;
	[tilespmem:$0xE000] =	vst v63  }
0x15: {  	s11 =	simm.s32 $0x100  }
0x16: {  	[tilespmem:s13], [sflag:$0x1] =	stream.indirect.gather [hbm4b:s3+s8], $0x80, s11, s8, $0xb8;
	[tilespmem:$0xE000] =	vst v63  }
0x17: {  	_ = 	snop  }
0x18: {  	[tilespmem:s15], [sflag:$0x1] =	stream.indirect.gather [hbm4b:s3+s8], $0x80, s14, s8, $0xb8;
	[tilespmem:$0xE000] =	vst v63  }
0x19: {  	_ = 	snop  }
0x1a: {  	[tilespmem:s17], [sflag:$0x1] =	stream.indirect.gather [hbm4b:s3+s8], $0x80, s16, s8, $0xb8;
	[tilespmem:$0xE000] =	vst v63  }
0x1b: {  	_ = 	snop  }
0x1c: {  	[tilespmem:s19], [sflag:$0x1] =	stream.indirect.gather [hbm4b:s3+s8], $0x80, s18, s8, $0xb8;
	[tilespmem:$0xE000] =	vst v63  }
0x1d: {  	s12 =	sand.u32 $0x7, s2  }
0x1e: {  	[tilespmem:s21], [sflag:$0x1] =	stream.indirect.gather [hbm4b:s3+s8], $0x80, s20, s8, $0xb8;
	[tilespmem:$0xE000] =	vst v63  }
0x1f: {  	s0 =	smul.u32 $0x5000, s12  }
0x20: {  	[tilespmem:s23], [sflag:$0x1] =	stream.indirect.gather [hbm4b:s3+s8], $0x80, s22, s8, $0xb8;
	[tilespmem:$0xE000] =	vst v63  }
0x21: {  	s30 =	simm.s32 $0x400;
	s28 =	simm.s32 $0x1;
	_ =	swait.ge [sflag:s24], $0x1400  }
0x22: {  	p0 =	por $0x0, $0x0;
	s0 =	sshrl.u32 s0, $0x2;
	[sflag:s24] =	ssyncset.done $0x0  }
0x23: {  	s9 =	simm.s32 @!p0 $0x2;
	s0 =	sadd.s32 $0x4000, s0;
	[sflag:s24] =	ssyncadd.s32 $0xFFFFEC00  }
0x24: {  	[hbm4b:s6+s2] =	stream.linear.scatter [tilespmem:s0], [sflag:$0x2], $0x1400, $0x38;
	[tilespmem:$0xE000] =	vst v63  }
0x25: {  	s31 =	sadd.s32 $0x280, s6;
	s29 =	simm.s32 $0x480;
	_ =	swait.ge @!p0 [sflag:s9], $0x1400  }
0x26: {  	s1 =	simm.s32 $0x2;
	s10 =	simm.s32 @!p0 $0x28;
	[sflag:s9] =	ssyncset.done @!p0 $0x0  }
.LBB2_2:
0x27: {  	s11 =	sand.u32 $0x7, s28  }
0x28: {  	[sflag:s9] =	ssyncadd.s32 @!p0 $0xFFFFEC00;
	s12 =	smov.u32 s1;
	s1 =	sadd.s32 $0x1, s1  }
0x29: {  	p1 =	sne.s32 s1, $0x7D;
	s9 =	smul.u32 $0x5000, s11  }
0x2a: {  	[tilespmem:s0], [sflag:$0x1] =	stream.indirect.gather @!p0 [hbm4b:s3+s10], $0x80, s30, s10, $0xb8;
	[tilespmem:$0xE000] =	vst v63  }
0x2b: {  	s30 =	smov.u32 s29  }
0x2c: {  	p0 =	sgt.u32 s28, $0x74;
	s0 =	sshrl.u32 s9, $0x2;
	_ =	swait.ge [sflag:s24], $0x1400  }
.Ltmp0:
0x2d: {  	s0 =	sadd.s32 $0x4000, s0;
	[sflag:s24] =	ssyncset.done $0x0;
	(pc) =	sbr.rel @p1 .LBB2_2-.Ltmp0, $4  }
0x2e: {  	s28 =	smov.u32 s12;
	s9 =	simm.s32 @!p0 $0x2;
	[sflag:s24] =	ssyncadd.s32 $0xFFFFEC00  }
0x2f: {  	[hbm4b:s31+s2] =	stream.linear.scatter [tilespmem:s0], [sflag:$0x2], $0x1400, $0x38;
	[tilespmem:$0xE000] =	vst v63  }
0x30: {  	s31 =	sadd.s32 $0x280, s31;
	_ =	swait.ge @!p0 [sflag:s9], $0x1400  }
0x31: {  	s29 =	sadd.s32 $0x80, s29;
	s10 =	simm.s32 @!p0 $0x28;
	[sflag:s9] =	ssyncset.done @!p0 $0x0  }
0x32: {  	s1 =	sand.u32 $0x7, s28  }
0x33: {  	[sflag:s9] =	ssyncadd.s32 @!p0 $0xFFFFEC00;
	s1 =	smul.u32 $0x5000, s1  }
0x34: {  	[tilespmem:s0], [sflag:$0x1] =	stream.indirect.gather @!p0 [hbm4b:s3+s10], $0x80, s30, s10, $0xb8;
	[tilespmem:$0xE000] =	vst v63  }
0x35: {  	_ =	swait.ge [sflag:s24], $0x1400  }
0x36: {  	p0 =	sgt.u32 s28, $0x74;
	s30 =	sshrl.u32 s1, $0x2;
	[sflag:s24] =	ssyncset.done $0x0  }
0x37: {  	s1 =	simm.s32 @!p0 $0x2;
	s0 =	sadd.s32 $0x4000, s30;
	[sflag:s24] =	ssyncadd.s32 $0xFFFFEC00  }
0x38: {  	[hbm4b:s31+s2] =	stream.linear.scatter [tilespmem:s0], [sflag:$0x2], $0x1400, $0x38;
	[tilespmem:$0xE000] =	vst v63  }
0x39: {  	_ =	swait.ge @!p0 [sflag:s1], $0x1400  }
0x3a: {  	[sflag:s1] =	ssyncset.done @!p0 $0x0  }
0x3b: {  	s9 =	simm.s32 @!p0 $0x28;
	[sflag:s1] =	ssyncadd.s32 @!p0 $0xFFFFEC00  }
0x3c: {  	[tilespmem:s0], [sflag:$0x1] =	stream.indirect.gather @!p0 [hbm4b:s3+s9], $0x80, s29, s9, $0xb8;
	[tilespmem:$0xE000] =	vst v63  }
0x3d: {  	_ =	swait.ge [sflag:s25], $0x1400  }
0x3e: {  	[sflag:s25] =	ssyncset.done $0x0  }
0x3f: {  	[sflag:s25] =	ssyncadd.s32 $0xFFFFEC00  }
0x40: {  	_ =	swait.ge [sflag:s25], $0x1400  }
0x41: {  	[sflag:s25] =	ssyncset.done $0x0  }
0x42: {  	[sflag:s25] =	ssyncadd.s32 $0xFFFFEC00  }
0x43: {  	_ =	swait.ge [sflag:s25], $0x1400  }
0x44: {  	[sflag:s25] =	ssyncset.done $0x0  }
0x45: {  	[sflag:s25] =	ssyncadd.s32 $0xFFFFEC00  }
0x46: {  	_ =	swait.ge [sflag:s25], $0x1400  }
0x47: {  	[sflag:s25] =	ssyncset.done $0x0  }
0x48: {  	[sflag:s25] =	ssyncadd.s32 $0xFFFFEC00  }
0x49: {  	_ =	swait.ge [sflag:s25], $0x1400  }
0x4a: {  	[sflag:s25] =	ssyncset.done $0x0  }
0x4b: {  	[sflag:s25] =	ssyncadd.s32 $0xFFFFEC00  }
0x4c: {  	_ =	swait.ge [sflag:s25], $0x1400  }
0x4d: {  	[sflag:s25] =	ssyncset.done $0x0  }
0x4e: {  	s26 =	sadd.s32 $0x1, s26;
	[sflag:s25] =	ssyncadd.s32 $0xFFFFEC00  }
0x4f: {  	p0 =	sne.s32 s26, s5;
	_ =	swait.ge [sflag:s25], $0x1400  }
.Ltmp1:
0x50: {  	[sflag:s25] =	ssyncset.done $0x0;
	(pc) =	sbr.rel @p0 .LBB2_1-.Ltmp1, $4  }
0x51: {  	[sflag:s25] =	ssyncadd.s32 $0xFFFFEC00  }
0x52: {  	_ =	swait.ge [sflag:s25], $0x1400  }
0x53: {  	[sflag:s25] =	ssyncset.done $0x0  }
0x54: {  	[sflag:s25] =	ssyncadd.s32 $0xFFFFEC00  }
0x55: {  	_ =	sfence.sel $0x180000  }
0x56: {  	[bflag:$0x0] =	sbarrier.arrive $0xFFFF  }
0x57: {  	_ =	strace $0x90000047  }
0x58: {  	s0 =	stileid.u32;
	[bflag:$0x2] =	sbarrier.arrive $0xFFFF  }
0x59: {  	p0 =	sne.s32 s0, $0x0;
	s0 =	rddreg [dreg:$0x1]  }
0x5a: {  	s0 =	sadd.s32 @!p0 $0x100000, s0  }
0x5b: {  	[sflag:s0] =	ssyncadd.tile.s32 @!p0 $0x1;
	_ =	shalt  }
.Lfunc_end2:
_tile_overlayer_lowered:
.L_overlay_start_2:
0x5c: {  	(tag) =	ssettag $0x2  }
0x5d: {  	s0 =	rddreg [dreg:$0x0];
	s2 =	stileid.u32  }
0x5e: {  	s1 =	rddreg [dreg:$0x1];
	p0 =	sne.s32 s2, $0x0  }
0x5f: {  	s3 =	rddreg [dreg:$0x2];
	[bflag:$0x3] =	sbarrier.arrive $0xFFFF;
	s2 =	simm.s32 @!p0 $0x1C03  }
0x60: {  	[timem:s3], [sflag:s2] =	dma.local @!p0 [hbm:s0], s1  }
0x61: {  	s0 =	simm.s32 @!p0 $0x3  }
0x62: {  	_ =	swait.ge @!p0 [sflag:s0], s1  }
0x63: {  	s1 =	ssub.s32 @!p0 $0x0, s1;
	[sflag:s0] =	ssyncset.done @!p0 $0x0  }
0x64: {  	[sflag:s0] =	ssyncadd.s32 @!p0 s1  }
0x65: {  	[bflag:$0x3] =	sbarrier.arrive $0xFFFF  }
0x66: {  	_ =	shalt  }

// kernel: kernel.9.cloned.1.call-start
scs
__scs_entry_jumppad:
0x0: {  	(pc) =	sbr.rel $0x88, $3  }
0x1: {  	(tag) =	ssettag $0x0;
	lr =	simm.s32 $0x1  }
0x2: {  	[smem:$0x3F98] =	sst lr;
	_ =	strace $0xD0000000  }
0x3: {  	_ = 	snop  }
0x4: {  	_ = 	snop  }
0x5: {  	_ = 	snop  }
0x6: {  	_ = 	snop  }
0x7: {  	_ = 	snop  }
__scs_overlays_trampoline_lowered:
0x8: {  	[smem:$0x3FA7] =	sst s0  }
0x9: {  	[smem:$0x3FA8] =	sst s1  }
0xa: {  	[smem:$0x3FA9] =	sst s2  }
0xb: {  	[smem:$0x3FAA] =	sst s3  }
0xc: {  	[smem:$0x3FAB] =	sst s4  }
0xd: {  	[smem:$0x3FAC] =	sst s5  }
0xe: {  	[smem:$0x3FAD] =	sst s6  }
0xf: {  	[smem:$0x3FAE] =	sst s7  }
0x10: {  	[smem:$0x3FAF] =	sst s8  }
0x11: {  	[smem:$0x3FB0] =	sst s9;
	s0 =	simm.s32 @!p0 $0x0  }
0x12: {  	s1 =	sld [smem:$0x3F96];
	s0 =	simm.s32 @p0 $0x1  }
0x13: {  	[smem:$0x3FB1] =	sst s0;
	s0 =	simm.s32 @!p1 $0x0  }
0x14: {  	s2 =	sld [smem:$0x3F95];
	s0 =	simm.s32 @p1 $0x1  }
0x15: {  	[smem:$0x3FB2] =	sst s0;
	s0 =	simm.s32 @!p2 $0x0  }
0x16: {  	s3 =	sld [smem:$0x3FDB];
	s0 =	simm.s32 @p2 $0x1  }
0x17: {  	s4 =	simm.s32 $0x1BF5;
	[smem:$0x3FB4] =	sst s0  }
0x18: {  	s0 =	sld [smem:$0x3F97];
	_ =	swait.ge [sflag:s4], $0x0  }
0x19: {  	s7 =	sld [smem:$0x3F98]  }
0x1a: {  	s8 =	sadd.s32 $0xFFFFE003, lr  }
0x1b: {  	s9 =	sadd.s32 $0xFFFFFEF7, lr;
	s5 =	simm.s32 $0xFFFFFFFF;
	p2 =	slt.u32 s8, $0xFFFFF086  }
0x1c: {  	p1 =	slt.u32 s9, $0xF7A;
	s5 =	simm.s32 @!p2 $0x0  }
0x1d: {  	s5 =	simm.s32 @p1 $0x1;
	p0 =	seq.s32 s7, s2  }
0x1e: {  	s7 =	smul.u32 @!p0 $0xF7A, s2;
	p2 =	seq.s32 @!p0 s5, $0x0  }
0x1f: {  	s9 =	smul.u32 $0xF7A, s1;
	s8 =	simm.s32 @!p0 $0x1BF5;
	p2 =	por !p2, p0  }
0x20: {  	[sflag:s8] =	ssyncset.s32 @!p0 $0xFFFFF086;
	s6 =	sadd.s32 @!p0 s3, s7;
	s7 =	simm.s32 @!p0 $0x108  }
0x21: {  	s3 =	sadd.s32 s3, s9;
	s6 =	sadd.s32 @!p0 $0x88, s6;
	s7 =	simm.s32 @p2 $0x1082  }
0x22: {  	[simem:s7], [sflag:s8] =	dma.local @!p0 [hbm:s6], $0xF7A  }
0x23: {  	s9 =	sor.u32 $0xD0000000, s2;
	s6 =	simm.s32 $0x108;
	_ =	swait.ge @!p0 [sflag:s8], $0x0  }
0x24: {  	s3 =	sadd.s32 $0x88, s3;
	s6 =	simm.s32 @!p1 $0x1082;
	[sflag:s4] =	ssyncset.s32 $0xFFFFF086  }
0x25: {  	[simem:s6], [sflag:s4] =	dma.local [hbm:s3], $0xF7A  }
0x26: {  	[smem:$0x3F98] =	sst s1;
	(tag) =	ssettag s2;
	_ =	strace s9  }
0x27: {  	s1 =	sld [smem:$0x3FA8]  }
0x28: {  	s2 =	sld [smem:$0x3FA9]  }
0x29: {  	s4 =	sld [smem:$0x3FAB]  }
0x2a: {  	p0 =	seq.s32 s5, $0x0;
	s5 =	sld [smem:$0x3FAC]  }
0x2b: {  	s6 =	sld [smem:$0x3FAD]  }
0x2c: {  	s7 =	sld [smem:$0x3FAE]  }
0x2d: {  	s3 =	simm.s32 $0x108;
	s8 =	sld [smem:$0x3FAF]  }
0x2e: {  	s3 =	simm.s32 @!p0 $0x1082;
	s9 =	sld [smem:$0x3FB0]  }
0x2f: {  	lr =	sadd.s32 s0, s3;
	s0 =	sld [smem:$0x3FA7]  }
0x30: {  	s3 =	sld [smem:$0x3FAA]  }
0x31: {  	[smem:$0x3FB3] =	sst s10  }
0x32: {  	s10 =	sld [smem:$0x3FB1];
	_ =	sdelay $0x3  }
0x33: {  	p0 =	seq.s32 s10, $0x1;
	s10 =	sld [smem:$0x3FB3];
	_ =	sdelay $0x3  }
0x34: {  	[smem:$0x3FB3] =	sst s10  }
0x35: {  	s10 =	sld [smem:$0x3FB2];
	_ =	sdelay $0x3  }
0x36: {  	p1 =	seq.s32 s10, $0x1;
	s10 =	sld [smem:$0x3FB3];
	_ =	sdelay $0x3  }
0x37: {  	[smem:$0x3FB3] =	sst s10  }
0x38: {  	s10 =	sld [smem:$0x3FB4]  }
0x39: {  	_ = 	snop;
	(pc) =	sbr.ind lr, $3  }
0x3a: {  	_ = 	snop  }
0x3b: {  	_ = 	snop  }
0x3c: {  	p2 =	seq.s32 s10, $0x1;
	s10 =	sld [smem:$0x3FB3]  }
0x3d: {  	_ =	shalt  }
0x3e: {  	_ =	shalt  }
0x3f: {  	_ =	shalt  }
0x40: {  	_ =	shalt  }
0x41: {  	_ =	shalt  }
0x42: {  	_ =	shalt  }
0x43: {  	_ =	shalt  }
0x44: {  	_ =	shalt  }
0x45: {  	_ =	shalt  }
0x46: {  	_ =	shalt  }
0x47: {  	_ =	shalt  }
0x48: {  	_ =	shalt  }
0x49: {  	_ =	shalt  }
0x4a: {  	_ =	shalt  }
0x4b: {  	_ =	shalt  }
0x4c: {  	_ =	shalt  }
0x4d: {  	_ =	shalt  }
0x4e: {  	_ =	shalt  }
0x4f: {  	_ =	shalt  }
0x50: {  	_ =	shalt  }
0x51: {  	_ =	shalt  }
0x52: {  	_ =	shalt  }
0x53: {  	_ =	shalt  }
0x54: {  	_ =	shalt  }
0x55: {  	_ =	shalt  }
0x56: {  	_ =	shalt  }
0x57: {  	_ =	shalt  }
0x58: {  	_ =	shalt  }
0x59: {  	_ =	shalt  }
0x5a: {  	_ =	shalt  }
0x5b: {  	_ =	shalt  }
0x5c: {  	_ =	shalt  }
0x5d: {  	_ =	shalt  }
0x5e: {  	_ =	shalt  }
0x5f: {  	_ =	shalt  }
0x60: {  	_ =	shalt  }
0x61: {  	_ =	shalt  }
0x62: {  	_ =	shalt  }
0x63: {  	_ =	shalt  }
0x64: {  	_ =	shalt  }
0x65: {  	_ =	shalt  }
0x66: {  	_ =	shalt  }
0x67: {  	_ =	shalt  }
0x68: {  	_ =	shalt  }
0x69: {  	_ =	shalt  }
0x6a: {  	_ =	shalt  }
0x6b: {  	_ =	shalt  }
0x6c: {  	_ =	shalt  }
0x6d: {  	_ =	shalt  }
0x6e: {  	_ =	shalt  }
0x6f: {  	_ =	shalt  }
0x70: {  	_ =	shalt  }
0x71: {  	_ =	shalt  }
0x72: {  	_ =	shalt  }
0x73: {  	_ =	shalt  }
0x74: {  	_ =	shalt  }
0x75: {  	_ =	shalt  }
0x76: {  	_ =	shalt  }
0x77: {  	_ =	shalt  }
0x78: {  	_ =	shalt  }
0x79: {  	_ =	shalt  }
0x7a: {  	_ =	shalt  }
0x7b: {  	_ =	shalt  }
0x7c: {  	_ =	shalt  }
0x7d: {  	_ =	shalt  }
0x7e: {  	_ =	shalt  }
0x7f: {  	_ =	shalt  }
0x80: {  	_ =	shalt  }
0x81: {  	_ =	shalt  }
0x82: {  	_ =	shalt  }
0x83: {  	_ =	shalt  }
0x84: {  	_ =	shalt  }
0x85: {  	_ =	shalt  }
0x86: {  	_ =	shalt  }
0x87: {  	_ =	shalt  }
.Lfunc_end0:
.L_simem_size_0:
called_computation.1_lowered:
.L_overlay_start_0:
0x88: {  	s2 =	sld [smem:$0x3FD9]  }
0x89: {  	s3 =	sld [smem:$0x3FFE];
	_ =	sdelay $0x1  }
0x8a: {  	s1 =	srdreg.scid  }
0x8b: {  	s0 =	sand.u32 $0x1, s1  }
0x8c: {  	s17 =	sshll.u32 s0, $0xA;
	s2 =	sadd.s32 s3, s2  }
0x8d: {  	s2 =	sadd.s32 s2, s17  }
0x8e: {  	[smem:$0x3FBF] =	sst s2  }
0x8f: {  	_ = 	snop  }
0x90: {  	s2 =	sld [smem:$0x3FD0];
	(tm) =	ssettm $0x1  }
0x91: {  	s18 =	sld [smem:$0x3FFB];
	_ =	sdelay $0x3  }
0x92: {  	_ =	strace s18  }
0x93: {  	s3 =	sld [smem:$0x3FFC];
	_ =	sdelay $0x3  }
0x94: {  	_ =	strace s3  }
0x95: {  	s3 =	sld [smem:$0x3FFD];
	_ =	sdelay $0x3  }
0x96: {  	_ =	strace s3  }
0x97: {  	_ =	strace $0x8FFFFFFF  }
0x98: {  	s19 =	sld [smem:$0x3FDB];
	_ =	sdelay $0x1  }
0x99: {  	s4 =	simm.s32 $_scs_section_size  }
0x9a: {  	s5 =	simm.s32 $_size__tile_overlayer_lowered;
	s6 =	simm.s32 $_tile_overlayer_lowered  }
0x9b: {  	s22 =	simm.s32 $0x1BFF;
	s21 =	sshll.u32 s6, $0x1;
	s3 =	sadd.s32 s4, s19  }
0x9c: {  	s7 =	simm.s32 $0x0;
	s20 =	sshll.u32 s5, $0x1;
	s5 =	sadd.s32 s21, s3  }
0x9d: {  	[timem:s7], [sflag:s22] =	dma.local [hbm:s5], s20  }
0x9e: {  	_ =	swait.ge [sflag:s22], s20  }
0x9f: {  	s4 =	ssub.s32 $0x0, s20;
	[sflag:s22] =	ssyncset.done $0x0  }
0xa0: {  	[sflag:s22] =	ssyncadd.s32 s4;
	_ =	sdelay $0x1  }
0xa1: {  	s23 =	simm.s32 $0x1B8B  }
0xa2: {  	_ =	swait.ge [sflag:s23], $0x1  }
0xa3: {  	[sflag:s23] =	ssyncset.done $0x0  }
0xa4: {  	s25 =	simm.s32 $0x1B8E;
	s24 =	sld [smem:$0x3FFE];
	[sflag:s23] =	ssyncadd.s32 $0xFFFFFFFF  }
0xa5: {  	s26 =	simm.s32 $execute0_lowered;
	[smem:$0x3FD2] =	sst s25  }
0xa6: {  	s5 =	sshll.u32 s26, $0x1;
	_ =	strace $0x80000049;
	[dreg:$0x1] =	wrdreg $0xFFFFFFFF  }
0xa7: {  	s28 =	simm.s32 $_size_execute0_lowered;
	s3 =	sadd.s32 s3, s5;
	[dreg:$0x0] =	wrdreg $0x0  }
0xa8: {  	s5 =	sshll.u32 s28, $0x1;
	[dreg:$0x2] =	wrdreg s3  }
0xa9: {  	[dreg:$0x3] =	wrdreg s5  }
0xaa: {  	[dreg:$0x4] =	wrdreg $0xC0  }
0xab: {  	_ =	task [dreg:s7], $0x5FFFF  }
0xac: {  	[dreg:$0x1] =	wrdreg $0xFFFFFFFF  }
0xad: {  	[dreg:$0x0] =	wrdreg $0x60  }
0xae: {  	[dreg:$0x2] =	wrdreg s24  }
0xaf: {  	[dreg:$0x3] =	wrdreg s2  }
0xb0: {  	[dreg:$0x4] =	wrdreg $0x90000  }
0xb1: {  	[dreg:$0x5] =	wrdreg $0x9  }
0xb2: {  	_ =	task.clear_ibuf [dreg:s7], $0x6FFFF;
	_ =	strace $0x90000049  }
0xb3: {  	s29 =	simm.s32 $0x9;
	_ =	strace $0x8000004B  }
0xb4: {  	_ =	swait.ge [sflag:s29], $0x1  }
0xb5: {  	[sflag:s29] =	ssyncadd.s32 $0xFFFFFFFF  }
0xb6: {  	_ =	strace $0x9000004B  }
0xb7: {  	_ =	sfence  }
0xb8: {  	s30 =	sld [smem:$0x0];
	_ =	sdelay $0x2  }
0xb9: {  	s31 =	sshll.u32 s1, $0xD;
	s1 =	sshrl.u32 s1, $0x2  }
0xba: {  	s3 =	sand.u32 $0x4000, s31;
	s1 =	sadd.s32 s1, s30  }
0xbb: {  	s0 =	sor.u32 s3, s0;
	s1 =	sshll.u32 s1, $0x11  }
0xbc: {  	s0 =	sor.u32 s1, s0  }
0xbd: {  	s0 =	sadd.s32 $0x8F2B, s0  }
0xbe: {  	[sflag:s0] =	ssyncadd.remote.s32 $0x1  }
0xbf: {  	_ =	sfence.sel $0xFFFF  }
0xc0: {  	[dreg:$0x0] =	wrdreg $0xFFFFFFFF;
	(pc) =	sbr.abs _section_cstart, $3  }
0xc1: {  	[dreg:$0x1] =	wrdreg $0xFFFFFFFF  }
0xc2: {  	_ =	task.clear_ibuf [dreg:s7], $0x2FFFF;
	_ =	strace $0x9FFFFFFF  }
0xc3: {  	(tm) =	ssettm $0x7FFFFFFF  }
tec
execute0_lowered:
.L_overlay_start_1:
0x0: {  	(tag) =	ssettag $0x1  }
0x1: {  	s0 =	rddreg [dreg:$0x0]  }
0x2: {  	s2 =	rddreg [dreg:$0x2]  }
0x3: {  	s4 =	simm.s32 $0x0;
	s3 =	srdreg.scid;
	s1 =	stileid.u32  }
0x4: {  	s16 =	simm.s32 $0x4000;
	s17 =	simm.s32 $0x5400;
	s18 =	simm.s32 $0x6800  }
0x5: {  	s19 =	simm.s32 $0x7C00;
	s20 =	simm.s32 $0x1;
	s8 =	smul.u32 $0x14000, s1  }
0x6: {  	[smem:$0x7FF] =	sst s4;
	s5 =	sand.u32 $0x1, s3;
	s21 =	smul.u32 $0x50000, s1  }
0x7: {  	s13 =	sadd.s32 $0x2B9A00, s0;
	s25 =	sshll.u32 s1, $0x6;
	s26 =	smul.u32 $0x9C400, s1  }
0x8: {  	s6 =	sshll.u32 s5, $0x4;
	s7 =	smul.u32 $0x140000, s5;
	_ =	strace $0x8000004A  }
0x9: {  	s10 =	ssub.s32 $0x2, s5;
	s24 =	smul.u32 $0x9C4000, s5;
	s5 =	sor.u32 $0x1C03, s25  }
0xa: {  	s6 =	sor.u32 s1, s6;
	s22 =	sshrl.u32 s10, $0x1;
	s23 =	sshrl.u32 s21, $0x2  }
0xb: {  	s21 =	simm.s32 $0x28;
	s9 =	sshll.u32 s6, $0xB;
	s11 =	smul.u32 $0x13880, s6  }
0xc: {  	s7 =	sadd.s32 s8, s7;
	s12 =	smul.u32 $0x9C400, s6;
	s14 =	ssub.s32 s10, s22  }
0xd: {  	s15 =	sadd.s32 s23, s2;
	s10 =	sadd.s32 s26, s24;
	s22 =	simm.s32 $0x2  }
0xe: {  	s23 =	simm.s32 $0x0;
	s9 =	sadd.s32 s9, s0;
	s7 =	sshrl.u32 s7, $0x3  }
0xf: {  	s30 =	sadd.s32 $0x5000, s10;
	s0 =	sadd.s32 s7, s0;
	s6 =	sadd.s32 $0x2A9A00, s9  }
0x10: {  	s28 =	sshrl.u32 s12, $0x3;
	s7 =	sadd.s32 s13, s11;
	s31 =	sshrl.u32 s30, $0x3  }
0x11: {  	s12 =	smax.u32 s14, $0x1;
	s14 =	sshrl.u32 s15, $0x3;
	s15 =	simm.s32 $0x3  }
0x12: {  	s29 =	sadd.s32 s13, s28;
	s11 =	sadd.s32 $0x1800, s0;
	s13 =	sadd.s32 s31, s13  }
0x13: {  	s8 =	sadd.s32 $0x280, s29;
	s9 =	sadd.s32 $0x500, s29;
	s10 =	sadd.s32 $0x780, s29  }
.LBB2_1:
0x14: {  	s0 =	rddreg [dreg:$0x1]  }
0x15: {  	[spmem:s14], [sflag:s5] =	dma.local [hbm:s0], $0x2800  }
0x16: {  	_ =	swait.ge [sflag:s15], $0x2800  }
0x17: {  	[sflag:s15] =	ssyncset.done $0x0  }
0x18: {  	[sflag:s15] =	ssyncadd.s32 $0xFFFFD800  }
0x19: {  	[tilespmem:s4], [sflag:$0x3] =	stream.linear.gather [hbm4b:s6+s4], $0x3E80, $0x38;
	[tilespmem:$0x1D000] =	vst v63  }
0x1a: {  	_ =	swait.ge [sflag:s15], $0x3E80  }
0x1b: {  	[sflag:s15] =	ssyncset.done $0x0  }
0x1c: {  	[sflag:s15] =	ssyncadd.s32 $0xFFFFC180  }
0x1d: {  	[bflag:$0x0] =	sbarrier.arrive $0xFFFF  }
0x1e: {  	[tilespmem:s16], [sflag:$0x1] =	stream.linear.gather [hbm4b:s7+s4], $0x1400, $0x38;
	[tilespmem:$0x1D000] =	vst v63  }
0x1f: {  	_ = 	snop  }
0x20: {  	[tilespmem:s17], [sflag:$0x1] =	stream.linear.gather [hbm4b:s8+s4], $0x1400, $0x38;
	[tilespmem:$0x1D000] =	vst v63  }
0x21: {  	s26 =	sand.u32 $0x3, s4  }
0x22: {  	[tilespmem:s18], [sflag:$0x1] =	stream.linear.gather [hbm4b:s9+s4], $0x1400, $0x38;
	[tilespmem:$0x1D000] =	vst v63  }
0x23: {  	s0 =	smul.u32 $0x5000, s26  }
0x24: {  	[tilespmem:s19], [sflag:$0x1] =	stream.linear.gather [hbm4b:s10+s4], $0x1400, $0x38;
	[tilespmem:$0x1D000] =	vst v63  }
0x25: {  	s24 =	simm.s32 $0x1;
	p0 =	por $0x0, $0x0;
	_ =	swait.ge [sflag:s20], $0x1400  }
0x26: {  	s29 =	simm.s32 $0x2;
	s0 =	sshrl.u32 s0, $0x2;
	[sflag:s20] =	ssyncset.done $0x0  }
0x27: {  	s31 =	simm.s32 @!p0 $0x2;
	s28 =	sor.u32 $0x4000, s0;
	[sflag:s20] =	ssyncadd.s32 $0xFFFFEC00  }
0x28: {  	[spmem:s2] =	stream.indirect.scatter.add.f32 [tilespmem:s28], [sflag:$0x2], $0x80, s4, s21, $0xb8;
	[tilespmem:$0x1D000] =	vst v63  }
0x29: {  	s25 =	sadd.s32 $0x280, s13;
	s30 =	smov.u32 s13;
	_ =	swait.ge @!p0 [sflag:s31], $0x1400  }
0x2a: {  	s26 =	simm.s32 $0x80;
	s0 =	simm.s32 @!p0 $0x0;
	[sflag:s31] =	ssyncset.done @!p0 $0x0  }
.LBB2_2:
0x2b: {  	s3 =	sand.u32 $0x3, s24  }
0x2c: {  	[sflag:s31] =	ssyncadd.s32 @!p0 $0xFFFFEC00;
	s1 =	smov.u32 s29;
	s29 =	sadd.s32 $0x1, s29  }
0x2d: {  	p1 =	sne.s32 s29, $0x7D;
	s3 =	smul.u32 $0x5000, s3  }
0x2e: {  	[tilespmem:s28], [sflag:$0x1] =	stream.linear.gather @!p0 [hbm4b:s30+s0], $0x1400, $0x38;
	[tilespmem:$0x1D000] =	vst v63  }
0x2f: {  	s30 =	smov.u32 s25  }
0x30: {  	p0 =	sgt.u32 s24, $0x78;
	s0 =	sshrl.u32 s3, $0x2;
	_ =	swait.ge [sflag:s20], $0x1400  }
.Ltmp0:
0x31: {  	s28 =	sor.u32 $0x4000, s0;
	[sflag:s20] =	ssyncset.done $0x0;
	(pc) =	sbr.rel @p1 .LBB2_2-.Ltmp0, $4  }
0x32: {  	s24 =	smov.u32 s1;
	s31 =	simm.s32 @!p0 $0x2;
	[sflag:s20] =	ssyncadd.s32 $0xFFFFEC00  }
0x33: {  	[spmem:s2] =	stream.indirect.scatter.add.f32 [tilespmem:s28], [sflag:$0x2], $0x80, s26, s21, $0xb8;
	[tilespmem:$0x1D000] =	vst v63  }
0x34: {  	s26 =	sadd.s32 $0x80, s26;
	_ =	swait.ge @!p0 [sflag:s31], $0x1400  }
0x35: {  	s25 =	sadd.s32 $0x280, s25;
	s0 =	simm.s32 @!p0 $0x0;
	[sflag:s31] =	ssyncset.done @!p0 $0x0  }
0x36: {  	s1 =	sand.u32 $0x3, s24  }
0x37: {  	[sflag:s31] =	ssyncadd.s32 @!p0 $0xFFFFEC00;
	s1 =	smul.u32 $0x5000, s1  }
0x38: {  	[tilespmem:s28], [sflag:$0x1] =	stream.linear.gather @!p0 [hbm4b:s30+s0], $0x1400, $0x38;
	[tilespmem:$0x1D000] =	vst v63  }
0x39: {  	_ =	swait.ge [sflag:s20], $0x1400  }
0x3a: {  	p0 =	sgt.u32 s24, $0x78;
	s31 =	sshrl.u32 s1, $0x2;
	[sflag:s20] =	ssyncset.done $0x0  }
0x3b: {  	s1 =	simm.s32 @!p0 $0x2;
	s0 =	sor.u32 $0x4000, s31;
	[sflag:s20] =	ssyncadd.s32 $0xFFFFEC00  }
0x3c: {  	[spmem:s2] =	stream.indirect.scatter.add.f32 [tilespmem:s0], [sflag:$0x2], $0x80, s26, s21, $0xb8;
	[tilespmem:$0x1D000] =	vst v63  }
0x3d: {  	_ =	swait.ge @!p0 [sflag:s1], $0x1400  }
0x3e: {  	[sflag:s1] =	ssyncset.done @!p0 $0x0  }
0x3f: {  	s3 =	simm.s32 @!p0 $0x0;
	[sflag:s1] =	ssyncadd.s32 @!p0 $0xFFFFEC00  }
0x40: {  	[tilespmem:s0], [sflag:$0x1] =	stream.linear.gather @!p0 [hbm4b:s25+s3], $0x1400, $0x38;
	[tilespmem:$0x1D000] =	vst v63  }
0x41: {  	_ =	swait.ge [sflag:s22], $0x1400  }
0x42: {  	[sflag:s22] =	ssyncset.done $0x0  }
0x43: {  	[sflag:s22] =	ssyncadd.s32 $0xFFFFEC00  }
0x44: {  	_ =	swait.ge [sflag:s22], $0x1400  }
0x45: {  	[sflag:s22] =	ssyncset.done $0x0  }
0x46: {  	[sflag:s22] =	ssyncadd.s32 $0xFFFFEC00  }
0x47: {  	_ =	swait.ge [sflag:s22], $0x1400  }
0x48: {  	[sflag:s22] =	ssyncset.done $0x0  }
0x49: {  	[sflag:s22] =	ssyncadd.s32 $0xFFFFEC00  }
0x4a: {  	_ =	swait.ge [sflag:s22], $0x1400  }
0x4b: {  	s23 =	sadd.s32 $0x1, s23;
	[sflag:s22] =	ssyncset.done $0x0  }
0x4c: {  	p0 =	sne.s32 s23, s12;
	[sflag:s22] =	ssyncadd.s32 $0xFFFFEC00  }
.Ltmp1:
0x4d: {  	[bflag:$0x0] =	sbarrier.arrive $0xFFFF;
	(pc) =	sbr.rel @p0 .LBB2_1-.Ltmp1, $4  }
0x4e: {  	[hbm:s11], [sflag:s5] =	dma.local [spmem:s14], $0x2800  }
0x4f: {  	_ =	swait.ge [sflag:s15], $0x2800  }
0x50: {  	[sflag:s15] =	ssyncset.done $0x0  }
0x51: {  	[sflag:s15] =	ssyncadd.s32 $0xFFFFD800  }
0x52: {  	_ =	sfence.sel $0x180000  }
0x53: {  	[bflag:$0x0] =	sbarrier.arrive $0xFFFF  }
0x54: {  	_ =	strace $0x9000004A  }
0x55: {  	s0 =	stileid.u32;
	[bflag:$0x2] =	sbarrier.arrive $0xFFFF  }
0x56: {  	p0 =	sne.s32 s0, $0x0;
	s0 =	rddreg [dreg:$0x3]  }
0x57: {  	s0 =	sadd.s32 @!p0 $0x100000, s0  }
0x58: {  	[sflag:s0] =	ssyncadd.tile.s32 @!p0 $0x1;
	_ =	shalt  }
.Lfunc_end2:
_tile_overlayer_lowered:
.L_overlay_start_2:
0x59: {  	(tag) =	ssettag $0x2  }
0x5a: {  	s0 =	rddreg [dreg:$0x0];
	s2 =	stileid.u32  }
0x5b: {  	s1 =	rddreg [dreg:$0x1];
	p0 =	sne.s32 s2, $0x0  }
0x5c: {  	s3 =	rddreg [dreg:$0x2];
	[bflag:$0x3] =	sbarrier.arrive $0xFFFF;
	s2 =	simm.s32 @!p0 $0x1C03  }
0x5d: {  	[timem:s3], [sflag:s2] =	dma.local @!p0 [hbm:s0], s1  }
0x5e: {  	s0 =	simm.s32 @!p0 $0x3  }
0x5f: {  	_ =	swait.ge @!p0 [sflag:s0], s1  }
0x60: {  	s1 =	ssub.s32 @!p0 $0x0, s1;
	[sflag:s0] =	ssyncset.done @!p0 $0x0  }
0x61: {  	[sflag:s0] =	ssyncadd.s32 @!p0 s1  }
0x62: {  	[bflag:$0x3] =	sbarrier.arrive $0xFFFF  }
0x63: {  	_ =	shalt  }

</sc_bundles>
